<compile_context>
chip_gen: v7x
topology: tpu7x:2x2x1
jax: 0.10.2.dev20260603
libtpu: 0.0.44.dev20260713+nightly
codegen_flags: <defaults>
</compile_context>

<pallas_src>
import functools

import jax
import jax.numpy as jnp
from jax import lax
from jax.experimental import pallas as pl
from jax.experimental.pallas import tpu as pltpu
from jax.experimental.pallas import tpu_sc as plsc

N = 10000
E = 320000
D = 128
NC = 2
NS = 16
NW = NC * NS
EPW = E // NW
K = 80
CHUNKS = EPW // K
NA = 10240
RPT = NA // NS
ZR = 128

_mesh = plsc.VectorSubcoreMesh(core_axis_name="c", subcore_axis_name="s")


def _fill_zero(ref, rows, width):
    zero16 = jnp.zeros((16,), jnp.float32)

    def body(t, _):
        i = t // (width // 16)
        k = t % (width // 16)
        ref[i, pl.ds(k * 16, 16)] = zero16
        return 0

    lax.fori_loop(0, rows * (width // 16), body, 0)


def _fill_const(ref, rows, width, vec16):

    def body(t, _):
        i = t // (width // 16)
        k = t % (width // 16)
        ref[i, pl.ds(k * 16, 16)] = vec16
        return 0

    lax.fori_loop(0, rows * (width // 16), body, 0)


@functools.partial(
    pl.kernel,
    out_type=jax.ShapeDtypeStruct((NC, NA, D), jnp.float32),
    mesh=_mesh,
    scratch_types=[
        pltpu.VMEM((K,), jnp.int32),
        pltpu.VMEM((K, D), jnp.float32),
        pltpu.VMEM((ZR, D), jnp.float32),
        pltpu.VMEM_SHARED((NA, D), jnp.float32),
    ],
)
def _sc_degree(dst_hbm, out_hbm, idx_v, ones_v, zb_v, acc_sh):
    c = lax.axis_index("c")
    s = lax.axis_index("s")
    wid = c * NS + s

    _fill_const(ones_v, K, D, jnp.ones((16,), jnp.float32))
    _fill_zero(zb_v, ZR, D)

    def zcp(j, _):
        pltpu.sync_copy(zb_v, acc_sh.at[pl.ds(s * RPT + j * ZR, ZR)])
        return 0

    lax.fori_loop(0, RPT // ZR, zcp, 0)
    plsc.subcore_barrier()

    def body(j, _):
        e0 = wid * EPW + j * K
        pltpu.sync_copy(dst_hbm.at[pl.ds(e0, K)], idx_v)
        pltpu.sync_copy(ones_v, acc_sh.at[idx_v], add=True)
        return 0

    lax.fori_loop(0, CHUNKS, body, 0)
    plsc.subcore_barrier()

    pltpu.sync_copy(acc_sh.at[pl.ds(s * RPT, RPT)],
                    out_hbm.at[c, pl.ds(s * RPT, RPT)])


@functools.partial(
    pl.kernel,
    out_type=jax.ShapeDtypeStruct((NC, NA, D), jnp.float32),
    mesh=_mesh,
    scratch_types=[
        pltpu.VMEM((K,), jnp.int32),
        pltpu.VMEM((K,), jnp.int32),
        pltpu.VMEM((K, D), jnp.float32),
        pltpu.VMEM((ZR, D), jnp.float32),
        pltpu.VMEM_SHARED((NA, D), jnp.float32),
        pltpu.SemaphoreType.DMA,
    ],
)
def _sc_scatter(src_hbm, dst_hbm, h_hbm, out_hbm,
                idxs_v, idxd_v, rows_v, zb_v, acc_sh, sem):
    c = lax.axis_index("c")
    s = lax.axis_index("s")
    wid = c * NS + s

    _fill_zero(zb_v, ZR, D)

    def zcp(j, _):
        pltpu.sync_copy(zb_v, acc_sh.at[pl.ds(s * RPT + j * ZR, ZR)])
        return 0

    lax.fori_loop(0, RPT // ZR, zcp, 0)
    plsc.subcore_barrier()

    def body(j, _):
        e0 = wid * EPW + j * K
        pltpu.sync_copy(src_hbm.at[pl.ds(e0, K)], idxs_v)
        pltpu.sync_copy(dst_hbm.at[pl.ds(e0, K)], idxd_v)
        pltpu.async_copy(h_hbm.at[idxs_v], rows_v, sem).wait()
        pltpu.sync_copy(rows_v, acc_sh.at[idxd_v], add=True)
        return 0

    lax.fori_loop(0, CHUNKS, body, 0)
    plsc.subcore_barrier()

    pltpu.sync_copy(acc_sh.at[pl.ds(s * RPT, RPT)],
                    out_hbm.at[c, pl.ds(s * RPT, RPT)])


R = 2000


def _dinv_of(d0_ref, d1_ref):
    deg = d0_ref[:, 0:1] + d1_ref[:, 0:1] + 1.0
    return lax.rsqrt(deg)


def _tc_h1_body(x_ref, w_ref, d0_ref, d1_ref, o_ref):
    dinv = _dinv_of(d0_ref, d1_ref)
    o_ref[...] = jnp.dot(x_ref[...], w_ref[...],
                         preferred_element_type=jnp.float32) * dinv


def _tc_mid_body(a0_ref, a1_ref, hp_ref, d0_ref, d1_ref, b_ref, w_ref, o_ref):
    dinv = _dinv_of(d0_ref, d1_ref)
    out1 = (a0_ref[...] + a1_ref[...] + hp_ref[...]) * dinv + b_ref[...]
    u = jnp.maximum(out1, 0.0)
    o_ref[...] = jnp.dot(u, w_ref[...],
                         preferred_element_type=jnp.float32) * dinv


def _tc_final_body(a0_ref, a1_ref, hp_ref, d0_ref, d1_ref, b_ref, o_ref):
    dinv = _dinv_of(d0_ref, d1_ref)
    o_ref[...] = (a0_ref[...] + a1_ref[...] + hp_ref[...]) * dinv + b_ref[...]


_row_spec = pl.BlockSpec((R, D), lambda i: (i, 0))
_deg_spec = pl.BlockSpec((R, D), lambda i: (i, 0))
_w_spec = pl.BlockSpec((D, D), lambda i: (0, 0))
_b_spec = pl.BlockSpec((1, D), lambda i: (0, 0))
_out_sds = jax.ShapeDtypeStruct((N, D), jnp.float32)


def _tc_h1(x, W1, d0, d1):
    return pl.pallas_call(
        _tc_h1_body, grid=(N // R,),
        in_specs=[_row_spec, _w_spec, _deg_spec, _deg_spec],
        out_specs=_row_spec, out_shape=_out_sds)(x, W1, d0, d1)


def _tc_mid(a0, a1, hp, d0, d1, b, W2):
    return pl.pallas_call(
        _tc_mid_body, grid=(N // R,),
        in_specs=[_row_spec, _row_spec, _row_spec, _deg_spec, _deg_spec,
                  _b_spec, _w_spec],
        out_specs=_row_spec, out_shape=_out_sds)(a0, a1, hp, d0, d1, b, W2)


def _tc_final(a0, a1, hp, d0, d1, b):
    return pl.pallas_call(
        _tc_final_body, grid=(N // R,),
        in_specs=[_row_spec, _row_spec, _row_spec, _deg_spec, _deg_spec,
                  _b_spec],
        out_specs=_row_spec, out_shape=_out_sds)(a0, a1, hp, d0, d1, b)


def kernel(x, adj_mat, W1, b1, W2, b2):
    src = adj_mat[0]
    dst = adj_mat[1]
    degp = _sc_degree(dst)
    d0, d1 = degp[0, :N], degp[1, :N]
    h1p = _tc_h1(x, W1, d0, d1)
    acc1 = _sc_scatter(src, dst, h1p)
    h2p = _tc_mid(acc1[0, :N], acc1[1, :N], h1p, d0, d1,
                  b1.reshape(1, D), W2)
    acc2 = _sc_scatter(src, dst, h2p)
    return _tc_final(acc2[0, :N], acc2[1, :N], h2p, d0, d1, b2.reshape(1, D))

# --- scband reference (transcript-rebuilt; emitter-appended) ---
"""Pipeline reference for scband-gnnmodel-33595234189756 (READ-ONLY COPY).

The authoritative reference and input builder live on the scoring server;
editing this copy changes nothing except your own understanding.
"""

import jax
import jax.numpy as jnp
import numpy as np

N_NODES = 10000
N_EDGES = 320000
D_IN = 128
D_HID = 128
D_OUT = 128


def gcn_conv(x, edge_index, W, b):
    # Faithful PyG GCNConv: add self-loops, symmetric normalization,
    # linear transform (no bias in lin), scatter-add aggregation, then bias.
    N = x.shape[0]
    src = edge_index[0]
    dst = edge_index[1]
    loop = jnp.arange(N, dtype=src.dtype)
    src2 = jnp.concatenate([src, loop])
    dst2 = jnp.concatenate([dst, loop])
    # degree on destination nodes (edge_weight = 1)
    deg = jnp.zeros((N,), dtype=x.dtype).at[dst2].add(1.0)
    deg_inv_sqrt = jnp.where(deg > 0, jax.lax.rsqrt(deg), 0.0)
    norm = deg_inv_sqrt[src2] * deg_inv_sqrt[dst2]
    h = x @ W
    msg = h[src2] * norm[:, None]
    out = jnp.zeros((N, h.shape[1]), dtype=h.dtype).at[dst2].add(msg)
    return out + b


def setup_inputs(seed: int = 0):
    key = jax.random.key(seed)
    k1, k2, k3, k4, k5, k6 = jax.random.split(key, 6)
    x = jax.random.normal(k1, (N_NODES, D_IN), dtype=jnp.float32)
    edge_index = jax.random.randint(k2, (2, N_EDGES), 0, N_NODES).astype(jnp.int32)
    s1 = 1.0 / np.sqrt(D_IN)
    s2 = 1.0 / np.sqrt(D_HID)
    W1 = jax.random.normal(k3, (D_IN, D_HID), dtype=jnp.float32) * s1
    b1 = jnp.zeros((D_HID,), dtype=jnp.float32)
    W2 = jax.random.normal(k4, (D_HID, D_OUT), dtype=jnp.float32) * s2
    b2 = jnp.zeros((D_OUT,), dtype=jnp.float32)
    return {"x": x, "adj_mat": edge_index, "W1": W1, "b1": b1, "W2": W2, "b2": b2}


def reference(x, adj_mat, W1, b1, W2, b2):
    # layer 0: GCNConv(128 -> 128)
    h = gcn_conv(x, adj_mat, W1, b1)
    # ReLU
    h = jax.nn.relu(h)
    # Dropout(p=0.1) -> identity in eval/inference mode
    # layer 1: GCNConv(128 -> 128)
    out = gcn_conv(h, adj_mat, W2, b2)
    return out

if __name__ == "__main__":
    import jax
    _d = setup_inputs()
    print(jax.jit(kernel)(*tuple(_d.values())))

</pallas_src>

<mosaic_0001>
#map = affine_map<(d0, d1) -> (0)>
#map1 = affine_map<(d0, d1) -> (0, 0)>
#map2 = affine_map<(d0, d1) -> (0, 0, 0)>
module attributes {stable_mosaic.version = 14 : i64} {
  func.func @_sc_scatter(%arg0: i32, %arg1: i32, %arg2: memref<320000xi32, #tpu.memory_space<hbm>>, %arg3: memref<320000xi32, #tpu.memory_space<hbm>>, %arg4: memref<10000x128xf32, #tpu.memory_space<hbm>>, %arg5: memref<2x10240x128xf32, #tpu.memory_space<hbm>>, %arg6: memref<80xi32, #tpu.memory_space<vmem>>, %arg7: memref<80xi32, #tpu.memory_space<vmem>>, %arg8: memref<80x128xf32, #tpu.memory_space<vmem>>, %arg9: memref<128x128xf32, #tpu.memory_space<vmem>>, %arg10: memref<10240x128xf32, #tpu.memory_space<vmem_shared>>, %arg11: memref<!tpu.dma_semaphore, #tpu.memory_space<semaphore_mem>>) attributes {dimension_semantics = [#tpu.dimension_semantics<core_parallel>, #tpu.dimension_semantics<subcore_parallel>], iteration_bounds = array<i64: 2, 16>, scalar_prefetch = 0 : i64, scratch_operands = 6 : i64, tpu.core_type = #tpu.core_type<sc_vector_subcore>, window_params = [{transform_indices = #map}, {transform_indices = #map}, {transform_indices = #map1}, {transform_indices = #map2}]} {
    %mul3A = arith.constant 16 : i32
    %mul3A_0 = arith.muli %arg0, %mul3A : i32
    %add3A = arith.addi %mul3A_0, %arg1 : i32
    %broadcast_in_dim3A = arith.constant 0.000000e+00 : f32
    %broadcast_in_dim3A_1 = vector.broadcast %broadcast_in_dim3A : f32 to vector<16xf32>
    %scan3A = arith.constant 0 : i32
    %scan3A_2 = arith.constant 0 : i32
    %scan3A_3 = arith.constant 1024 : i32
    %scan3A_4 = arith.addi %scan3A_2, %scan3A_3 : i32
    %scan3A_5 = arith.constant 1 : i32
    %scan3A_6 = scf.for %scan3A_27 = %scan3A_2 to %scan3A_4 step %scan3A_5 iter_args(%scan3A_28 = %scan3A) -> (i32)  : i32 {
      %jit3A = arith.constant 8 : i32
      %div3A = arith.divsi %scan3A_27, %jit3A : i32
      %sign3A = arith.constant 0 : i32
      %sign3A_29 = arith.cmpi sgt, %scan3A_27, %sign3A : i32
      %sign3A_30 = arith.extui %sign3A_29 : i1 to i32
      %sign3A_31 = arith.constant 0 : i32
      %sign3A_32 = arith.cmpi slt, %scan3A_27, %sign3A_31 : i32
      %sign3A_33 = arith.extui %sign3A_32 : i1 to i32
      %sign3A_34 = arith.subi %sign3A_30, %sign3A_33 : i32
      %sign3A_35 = arith.constant 0 : i32
      %sign3A_36 = arith.cmpi sgt, %jit3A, %sign3A_35 : i32
      %sign3A_37 = arith.extui %sign3A_36 : i1 to i32
      %sign3A_38 = arith.constant 0 : i32
      %sign3A_39 = arith.cmpi slt, %jit3A, %sign3A_38 : i32
      %sign3A_40 = arith.extui %sign3A_39 : i1 to i32
      %sign3A_41 = arith.subi %sign3A_37, %sign3A_40 : i32
      %ne3A = arith.cmpi ne, %sign3A_34, %sign3A_41 : i32
      %rem3A = arith.remsi %scan3A_27, %jit3A : i32
      %ne3A_42 = arith.constant 0 : i32
      %ne3A_43 = arith.cmpi ne, %rem3A, %ne3A_42 : i32
      %and3A = arith.andi %ne3A, %ne3A_43 : i1
      %sub3A = arith.constant 1 : i32
      %sub3A_44 = arith.subi %div3A, %sub3A : i32
      %select_n3A = arith.select %and3A, %sub3A_44, %div3A : i32
      %jit3A_45 = arith.constant 8 : i32
      %eq3A = arith.constant 0 : i32
      %eq3A_46 = arith.cmpi eq, %jit3A_45, %eq3A : i32
      %jit3A_47 = arith.constant 1 : i32
      %select_n3A_48 = arith.select %eq3A_46, %jit3A_47, %jit3A_45 : i32
      %rem3A_49 = arith.remsi %scan3A_27, %select_n3A_48 : i32
      %ne3A_50 = arith.constant 0 : i32
      %ne3A_51 = arith.cmpi ne, %rem3A_49, %ne3A_50 : i32
      %lt3A = arith.constant 0 : i32
      %lt3A_52 = arith.cmpi slt, %rem3A_49, %lt3A : i32
      %lt3A_53 = arith.constant 0 : i32
      %lt3A_54 = arith.cmpi slt, %select_n3A_48, %lt3A_53 : i32
      %ne3A_55 = arith.xori %lt3A_52, %lt3A_54 : i1
      %and3A_56 = arith.andi %ne3A_55, %ne3A_51 : i1
      %add3A_57 = arith.addi %rem3A_49, %select_n3A_48 : i32
      %select_n3A_58 = arith.select %and3A_56, %add3A_57, %rem3A_49 : i32
      %mul3A_59 = arith.constant 16 : i32
      %mul3A_60 = arith.muli %select_n3A_58, %mul3A_59 : i32
      %swap3A = arith.index_cast %select_n3A : i32 to index
      %swap3A_61 = arith.index_cast %mul3A_60 : i32 to index
      %swap3A_62 = tpu.vector_load %arg9[%swap3A, %swap3A_61] {strides = array<i32>} : memref<128x128xf32, #tpu.memory_space<vmem>>, vector<1x16xf32>,
      %swap3A_63 = vector.shape_cast %swap3A_62 : vector<1x16xf32> to vector<16xf32>
      %swap3A_64 = vector.shape_cast %broadcast_in_dim3A_1 : vector<16xf32> to vector<1x16xf32>
      tpu.vector_store %arg9[%swap3A, %swap3A_61], %swap3A_64 {strides = array<i32>} : memref<128x128xf32, #tpu.memory_space<vmem>>, vector<1x16xf32>,
      %scan3A_65 = arith.constant 0 : i32
      scf.yield %scan3A_65 : i32
    }
    %scan3A_7 = arith.constant 1024 : i32
    %scan3A_8 = arith.constant 0 : i32
    %scan3A_9 = arith.constant 0 : i32
    %scan3A_10 = arith.constant 5 : i32
    %scan3A_11 = arith.addi %scan3A_9, %scan3A_10 : i32
    %scan3A_12 = arith.constant 1 : i32
    %scan3A_13 = scf.for %scan3A_27 = %scan3A_9 to %scan3A_11 step %scan3A_12 iter_args(%scan3A_28 = %scan3A_8) -> (i32)  : i32 {
      %mul3A_29 = arith.constant 640 : i32
      %mul3A_30 = arith.muli %arg1, %mul3A_29 : i32
      %mul3A_31 = arith.constant 128 : i32
      %mul3A_32 = arith.muli %scan3A_27, %mul3A_31 : i32
      %add3A_33 = arith.addi %mul3A_30, %mul3A_32 : i32
      "tpu.region"() ({
        %run_scoped3A = tpu.sem_alloc : memref<!tpu.dma_semaphore, #tpu.memory_space<semaphore_mem>>
        %dma_start3A = arith.constant 0 : i32
        %dma_start3A_35 = tpu.memref_slice %arg10[%add3A_33, %dma_start3A] : memref<10240x128xf32, #tpu.memory_space<vmem_shared>> -> memref<128x128xf32, #tpu.memory_space<vmem_shared>>
        %dma_start3A_36 = arith.constant 0 : i32
        %dma_start3A_37 = tpu.memref_slice %arg10[%add3A_33, %dma_start3A_36] : memref<10240x128xf32, #tpu.memory_space<vmem_shared>> -> memref<128x128xf32, #tpu.memory_space<vmem_shared>>
        tpu.enqueue_dma source(%arg9 : memref<128x128xf32, #tpu.memory_space<vmem>>) target(%dma_start3A_37 : memref<128x128xf32, #tpu.memory_space<vmem_shared>>) target_semaphore(%run_scoped3A : memref<!tpu.dma_semaphore, #tpu.memory_space<semaphore_mem>>)
        %dma_wait3A = arith.constant 0 : i32
        %dma_wait3A_38 = tpu.memref_slice %arg10[%add3A_33, %dma_wait3A] : memref<10240x128xf32, #tpu.memory_space<vmem_shared>> -> memref<128x128xf32, #tpu.memory_space<vmem_shared>>
        %dma_wait3A_39 = arith.constant 0 : i32
        %dma_wait3A_40 = tpu.memref_slice %arg10[%add3A_33, %dma_wait3A_39] : memref<10240x128xf32, #tpu.memory_space<vmem_shared>> -> memref<128x128xf32, #tpu.memory_space<vmem_shared>>
        tpu.wait_dma2 semaphore(%run_scoped3A : memref<!tpu.dma_semaphore, #tpu.memory_space<semaphore_mem>>) src(%arg9 : memref<128x128xf32, #tpu.memory_space<vmem>>) dst(%dma_wait3A_40 : memref<128x128xf32, #tpu.memory_space<vmem_shared>>)
        tpu.yield
      }) : () -> ()
      %scan3A_34 = arith.constant 0 : i32
      scf.yield %scan3A_34 : i32
    }
    %scan3A_14 = arith.constant 5 : i32
    %barrier3A = arith.constant 0 : index
    tpu.barrier barrier_id(%barrier3A)
    %scan3A_15 = arith.constant 0 : i32
    %scan3A_16 = arith.constant 0 : i32
    %scan3A_17 = arith.constant 125 : i32
    %scan3A_18 = arith.addi %scan3A_16, %scan3A_17 : i32
    %scan3A_19 = arith.constant 1 : i32
    %scan3A_20 = scf.for %scan3A_27 = %scan3A_16 to %scan3A_18 step %scan3A_19 iter_args(%scan3A_28 = %scan3A_15) -> (i32)  : i32 {
      %mul3A_29 = arith.constant 10000 : i32
      %mul3A_30 = arith.muli %add3A, %mul3A_29 : i32
      %mul3A_31 = arith.constant 80 : i32
      %mul3A_32 = arith.muli %scan3A_27, %mul3A_31 : i32
      %add3A_33 = arith.addi %mul3A_30, %mul3A_32 : i32
      "tpu.region"() ({
        %run_scoped3A = tpu.sem_alloc : memref<!tpu.dma_semaphore, #tpu.memory_space<semaphore_mem>>
        %dma_start3A_39 = tpu.memref_slice %arg2[%add3A_33] : memref<320000xi32, #tpu.memory_space<hbm>> -> memref<80xi32, #tpu.memory_space<hbm>>
        %dma_start3A_40 = tpu.memref_slice %arg2[%add3A_33] : memref<320000xi32, #tpu.memory_space<hbm>> -> memref<80xi32, #tpu.memory_space<hbm>>
        tpu.enqueue_dma source(%dma_start3A_40 : memref<80xi32, #tpu.memory_space<hbm>>) target(%arg6 : memref<80xi32, #tpu.memory_space<vmem>>) target_semaphore(%run_scoped3A : memref<!tpu.dma_semaphore, #tpu.memory_space<semaphore_mem>>)
        %dma_wait3A_41 = tpu.memref_slice %arg2[%add3A_33] : memref<320000xi32, #tpu.memory_space<hbm>> -> memref<80xi32, #tpu.memory_space<hbm>>
        %dma_wait3A_42 = tpu.memref_slice %arg2[%add3A_33] : memref<320000xi32, #tpu.memory_space<hbm>> -> memref<80xi32, #tpu.memory_space<hbm>>
        tpu.wait_dma2 semaphore(%run_scoped3A : memref<!tpu.dma_semaphore, #tpu.memory_space<semaphore_mem>>) src(%dma_wait3A_42 : memref<80xi32, #tpu.memory_space<hbm>>) dst(%arg6 : memref<80xi32, #tpu.memory_space<vmem>>)
        tpu.yield
      }) : () -> ()
      "tpu.region"() ({
        %run_scoped3A = tpu.sem_alloc : memref<!tpu.dma_semaphore, #tpu.memory_space<semaphore_mem>>
        %dma_start3A_39 = tpu.memref_slice %arg3[%add3A_33] : memref<320000xi32, #tpu.memory_space<hbm>> -> memref<80xi32, #tpu.memory_space<hbm>>
        %dma_start3A_40 = tpu.memref_slice %arg3[%add3A_33] : memref<320000xi32, #tpu.memory_space<hbm>> -> memref<80xi32, #tpu.memory_space<hbm>>
        tpu.enqueue_dma source(%dma_start3A_40 : memref<80xi32, #tpu.memory_space<hbm>>) target(%arg7 : memref<80xi32, #tpu.memory_space<vmem>>) target_semaphore(%run_scoped3A : memref<!tpu.dma_semaphore, #tpu.memory_space<semaphore_mem>>)
        %dma_wait3A_41 = tpu.memref_slice %arg3[%add3A_33] : memref<320000xi32, #tpu.memory_space<hbm>> -> memref<80xi32, #tpu.memory_space<hbm>>
        %dma_wait3A_42 = tpu.memref_slice %arg3[%add3A_33] : memref<320000xi32, #tpu.memory_space<hbm>> -> memref<80xi32, #tpu.memory_space<hbm>>
        tpu.wait_dma2 semaphore(%run_scoped3A : memref<!tpu.dma_semaphore, #tpu.memory_space<semaphore_mem>>) src(%dma_wait3A_42 : memref<80xi32, #tpu.memory_space<hbm>>) dst(%arg7 : memref<80xi32, #tpu.memory_space<vmem>>)
        tpu.yield
      }) : () -> ()
      %dma_start3A = arith.constant 0 : i32
      %dma_start3A_34 = arith.constant 0 : i32
      %dma_start3A_35 = tpu.memref_slice %arg4[%dma_start3A, %dma_start3A_34] : memref<10000x128xf32, #tpu.memory_space<hbm>> -> memref<10000x128xf32, #tpu.memory_space<hbm>>
      tpu.enqueue_indirect_dma source(%dma_start3A_35 : memref<10000x128xf32, #tpu.memory_space<hbm>>) target(%arg8 : memref<80x128xf32, #tpu.memory_space<vmem>>) offsets(%arg6 : memref<80xi32, #tpu.memory_space<vmem>>) semaphore(%arg11 : memref<!tpu.dma_semaphore, #tpu.memory_space<semaphore_mem>>)
      %dma_wait3A = arith.constant 0 : i32
      %dma_wait3A_36 = arith.constant 0 : i32
      %dma_wait3A_37 = tpu.memref_slice %arg4[%dma_wait3A, %dma_wait3A_36] : memref<10000x128xf32, #tpu.memory_space<hbm>> -> memref<10000x128xf32, #tpu.memory_space<hbm>>
      tpu.wait_indirect_dma semaphore(%arg11 : memref<!tpu.dma_semaphore, #tpu.memory_space<semaphore_mem>>) src(%dma_wait3A_37 : memref<10000x128xf32, #tpu.memory_space<hbm>>) dst(%arg8 : memref<80x128xf32, #tpu.memory_space<vmem>>)
      "tpu.region"() ({
        %run_scoped3A = tpu.sem_alloc : memref<!tpu.dma_semaphore, #tpu.memory_space<semaphore_mem>>
        %dma_start3A_39 = arith.constant 0 : i32
        %dma_start3A_40 = arith.constant 0 : i32
        %dma_start3A_41 = tpu.memref_slice %arg10[%dma_start3A_39, %dma_start3A_40] : memref<10240x128xf32, #tpu.memory_space<vmem_shared>> -> memref<10240x128xf32, #tpu.memory_space<vmem_shared>>
        tpu.enqueue_indirect_dma source(%arg8 : memref<80x128xf32, #tpu.memory_space<vmem>>) target(%dma_start3A_41 : memref<10240x128xf32, #tpu.memory_space<vmem_shared>>) offsets(%arg7 : memref<80xi32, #tpu.memory_space<vmem>>) semaphore(%run_scoped3A : memref<!tpu.dma_semaphore, #tpu.memory_space<semaphore_mem>>) {add = true}
        %dma_wait3A_42 = arith.constant 0 : i32
        %dma_wait3A_43 = arith.constant 0 : i32
        %dma_wait3A_44 = tpu.memref_slice %arg10[%dma_wait3A_42, %dma_wait3A_43] : memref<10240x128xf32, #tpu.memory_space<vmem_shared>> -> memref<10240x128xf32, #tpu.memory_space<vmem_shared>>
        tpu.wait_indirect_dma semaphore(%run_scoped3A : memref<!tpu.dma_semaphore, #tpu.memory_space<semaphore_mem>>) src(%arg8 : memref<80x128xf32, #tpu.memory_space<vmem>>) dst(%dma_wait3A_44 : memref<10240x128xf32, #tpu.memory_space<vmem_shared>>)
        tpu.yield
      }) : () -> ()
      %scan3A_38 = arith.constant 0 : i32
      scf.yield %scan3A_38 : i32
    }
    %scan3A_21 = arith.constant 125 : i32
    %barrier3A_22 = arith.constant 0 : index
    tpu.barrier barrier_id(%barrier3A_22)
    %mul3A_23 = arith.constant 640 : i32
    %mul3A_24 = arith.muli %arg1, %mul3A_23 : i32
    %mul3A_25 = arith.constant 640 : i32
    %mul3A_26 = arith.muli %arg1, %mul3A_25 : i32
    "tpu.region"() ({
      %run_scoped3A = tpu.sem_alloc : memref<!tpu.dma_semaphore, #tpu.memory_space<semaphore_mem>>
      %dma_start3A = arith.constant 0 : i32
      %dma_start3A_27 = tpu.memref_slice %arg5[%arg0, %mul3A_26, %dma_start3A] : memref<2x10240x128xf32, #tpu.memory_space<hbm>> -> memref<1x640x128xf32, #tpu.memory_space<hbm>>
      %dma_start3A_28 = tpu.memref_squeeze %dma_start3A_27 : memref<1x640x128xf32, #tpu.memory_space<hbm>> -> memref<640x128xf32, #tpu.memory_space<hbm>>
      %dma_start3A_29 = arith.constant 0 : i32
      %dma_start3A_30 = tpu.memref_slice %arg10[%mul3A_24, %dma_start3A_29] : memref<10240x128xf32, #tpu.memory_space<vmem_shared>> -> memref<640x128xf32, #tpu.memory_space<vmem_shared>>
      tpu.enqueue_dma source(%dma_start3A_30 : memref<640x128xf32, #tpu.memory_space<vmem_shared>>) target(%dma_start3A_28 : memref<640x128xf32, #tpu.memory_space<hbm>>) target_semaphore(%run_scoped3A : memref<!tpu.dma_semaphore, #tpu.memory_space<semaphore_mem>>)
      %dma_wait3A = arith.constant 0 : i32
      %dma_wait3A_31 = tpu.memref_slice %arg5[%arg0, %mul3A_26, %dma_wait3A] : memref<2x10240x128xf32, #tpu.memory_space<hbm>> -> memref<1x640x128xf32, #tpu.memory_space<hbm>>
      %dma_wait3A_32 = tpu.memref_squeeze %dma_wait3A_31 : memref<1x640x128xf32, #tpu.memory_space<hbm>> -> memref<640x128xf32, #tpu.memory_space<hbm>>
      %dma_wait3A_33 = arith.constant 0 : i32
      %dma_wait3A_34 = tpu.memref_slice %arg10[%mul3A_24, %dma_wait3A_33] : memref<10240x128xf32, #tpu.memory_space<vmem_shared>> -> memref<640x128xf32, #tpu.memory_space<vmem_shared>>
      tpu.wait_dma2 semaphore(%run_scoped3A : memref<!tpu.dma_semaphore, #tpu.memory_space<semaphore_mem>>) src(%dma_wait3A_34 : memref<640x128xf32, #tpu.memory_space<vmem_shared>>) dst(%dma_wait3A_32 : memref<640x128xf32, #tpu.memory_space<hbm>>)
      tpu.yield
    }) : () -> ()
    return
  }
}

#map = affine_map<(d0, d1) -> (0)>
#map1 = affine_map<(d0, d1) -> (0, 0)>
#map2 = affine_map<(d0, d1) -> (0, 0, 0)>
module attributes {stable_mosaic.version = 14 : i64} {
  func.func @_sc_scatter(%arg0: i32, %arg1: i32, %arg2: memref<320000xi32, #tpu.memory_space<hbm>>, %arg3: memref<320000xi32, #tpu.memory_space<hbm>>, %arg4: memref<10000x128xf32, #tpu.memory_space<hbm>>, %arg5: memref<2x10240x128xf32, #tpu.memory_space<hbm>>, %arg6: memref<80xi32, #tpu.memory_space<vmem>>, %arg7: memref<80xi32, #tpu.memory_space<vmem>>, %arg8: memref<80x128xf32, #tpu.memory_space<vmem>>, %arg9: memref<128x128xf32, #tpu.memory_space<vmem>>, %arg10: memref<10240x128xf32, #tpu.memory_space<vmem_shared>>, %arg11: memref<!tpu.dma_semaphore, #tpu.memory_space<semaphore_mem>>) attributes {dimension_semantics = [#tpu.dimension_semantics<core_parallel>, #tpu.dimension_semantics<subcore_parallel>], iteration_bounds = array<i64: 2, 16>, scalar_prefetch = 0 : i64, scratch_operands = 6 : i64, tpu.core_type = #tpu.core_type<sc_vector_subcore>, window_params = [{transform_indices = #map}, {transform_indices = #map}, {transform_indices = #map1}, {transform_indices = #map2}]} {
    %mul3A = arith.constant 16 : i32
    %mul3A_0 = arith.muli %arg0, %mul3A : i32
    %add3A = arith.addi %mul3A_0, %arg1 : i32
    %broadcast_in_dim3A = arith.constant 0.000000e+00 : f32
    %broadcast_in_dim3A_1 = vector.broadcast %broadcast_in_dim3A : f32 to vector<16xf32>
    %scan3A = arith.constant 0 : i32
    %scan3A_2 = arith.constant 0 : i32
    %scan3A_3 = arith.constant 1024 : i32
    %scan3A_4 = arith.addi %scan3A_2, %scan3A_3 : i32
    %scan3A_5 = arith.constant 1 : i32
    %scan3A_6 = scf.for %scan3A_27 = %scan3A_2 to %scan3A_4 step %scan3A_5 iter_args(%scan3A_28 = %scan3A) -> (i32)  : i32 {
      %jit3A = arith.constant 8 : i32
      %div3A = arith.divsi %scan3A_27, %jit3A : i32
      %sign3A = arith.constant 0 : i32
      %sign3A_29 = arith.cmpi sgt, %scan3A_27, %sign3A : i32
      %sign3A_30 = arith.extui %sign3A_29 : i1 to i32
      %sign3A_31 = arith.constant 0 : i32
      %sign3A_32 = arith.cmpi slt, %scan3A_27, %sign3A_31 : i32
      %sign3A_33 = arith.extui %sign3A_32 : i1 to i32
      %sign3A_34 = arith.subi %sign3A_30, %sign3A_33 : i32
      %sign3A_35 = arith.constant 0 : i32
      %sign3A_36 = arith.cmpi sgt, %jit3A, %sign3A_35 : i32
      %sign3A_37 = arith.extui %sign3A_36 : i1 to i32
      %sign3A_38 = arith.constant 0 : i32
      %sign3A_39 = arith.cmpi slt, %jit3A, %sign3A_38 : i32
      %sign3A_40 = arith.extui %sign3A_39 : i1 to i32
      %sign3A_41 = arith.subi %sign3A_37, %sign3A_40 : i32
      %ne3A = arith.cmpi ne, %sign3A_34, %sign3A_41 : i32
      %rem3A = arith.remsi %scan3A_27, %jit3A : i32
      %ne3A_42 = arith.constant 0 : i32
      %ne3A_43 = arith.cmpi ne, %rem3A, %ne3A_42 : i32
      %and3A = arith.andi %ne3A, %ne3A_43 : i1
      %sub3A = arith.constant 1 : i32
      %sub3A_44 = arith.subi %div3A, %sub3A : i32
      %select_n3A = arith.select %and3A, %sub3A_44, %div3A : i32
      %jit3A_45 = arith.constant 8 : i32
      %eq3A = arith.constant 0 : i32
      %eq3A_46 = arith.cmpi eq, %jit3A_45, %eq3A : i32
      %jit3A_47 = arith.constant 1 : i32
      %select_n3A_48 = arith.select %eq3A_46, %jit3A_47, %jit3A_45 : i32
      %rem3A_49 = arith.remsi %scan3A_27, %select_n3A_48 : i32
      %ne3A_50 = arith.constant 0 : i32
      %ne3A_51 = arith.cmpi ne, %rem3A_49, %ne3A_50 : i32
      %lt3A = arith.constant 0 : i32
      %lt3A_52 = arith.cmpi slt, %rem3A_49, %lt3A : i32
      %lt3A_53 = arith.constant 0 : i32
      %lt3A_54 = arith.cmpi slt, %select_n3A_48, %lt3A_53 : i32
      %ne3A_55 = arith.xori %lt3A_52, %lt3A_54 : i1
      %and3A_56 = arith.andi %ne3A_55, %ne3A_51 : i1
      %add3A_57 = arith.addi %rem3A_49, %select_n3A_48 : i32
      %select_n3A_58 = arith.select %and3A_56, %add3A_57, %rem3A_49 : i32
      %mul3A_59 = arith.constant 16 : i32
      %mul3A_60 = arith.muli %select_n3A_58, %mul3A_59 : i32
      %swap3A = arith.index_cast %select_n3A : i32 to index
      %swap3A_61 = arith.index_cast %mul3A_60 : i32 to index
      %swap3A_62 = tpu.vector_load %arg9[%swap3A, %swap3A_61] {strides = array<i32>} : memref<128x128xf32, #tpu.memory_space<vmem>>, vector<1x16xf32>,
      %swap3A_63 = vector.shape_cast %swap3A_62 : vector<1x16xf32> to vector<16xf32>
      %swap3A_64 = vector.shape_cast %broadcast_in_dim3A_1 : vector<16xf32> to vector<1x16xf32>
      tpu.vector_store %arg9[%swap3A, %swap3A_61], %swap3A_64 {strides = array<i32>} : memref<128x128xf32, #tpu.memory_space<vmem>>, vector<1x16xf32>,
      %scan3A_65 = arith.constant 0 : i32
      scf.yield %scan3A_65 : i32
    }
    %scan3A_7 = arith.constant 1024 : i32
    %scan3A_8 = arith.constant 0 : i32
    %scan3A_9 = arith.constant 0 : i32
    %scan3A_10 = arith.constant 5 : i32
    %scan3A_11 = arith.addi %scan3A_9, %scan3A_10 : i32
    %scan3A_12 = arith.constant 1 : i32
    %scan3A_13 = scf.for %scan3A_27 = %scan3A_9 to %scan3A_11 step %scan3A_12 iter_args(%scan3A_28 = %scan3A_8) -> (i32)  : i32 {
      %mul3A_29 = arith.constant 640 : i32
      %mul3A_30 = arith.muli %arg1, %mul3A_29 : i32
      %mul3A_31 = arith.constant 128 : i32
      %mul3A_32 = arith.muli %scan3A_27, %mul3A_31 : i32
      %add3A_33 = arith.addi %mul3A_30, %mul3A_32 : i32
      "tpu.region"() ({
        %run_scoped3A = tpu.sem_alloc : memref<!tpu.dma_semaphore, #tpu.memory_space<semaphore_mem>>
        %dma_start3A = arith.constant 0 : i32
        %dma_start3A_35 = tpu.memref_slice %arg10[%add3A_33, %dma_start3A] : memref<10240x128xf32, #tpu.memory_space<vmem_shared>> -> memref<128x128xf32, #tpu.memory_space<vmem_shared>>
        %dma_start3A_36 = arith.constant 0 : i32
        %dma_start3A_37 = tpu.memref_slice %arg10[%add3A_33, %dma_start3A_36] : memref<10240x128xf32, #tpu.memory_space<vmem_shared>> -> memref<128x128xf32, #tpu.memory_space<vmem_shared>>
        tpu.enqueue_dma source(%arg9 : memref<128x128xf32, #tpu.memory_space<vmem>>) target(%dma_start3A_37 : memref<128x128xf32, #tpu.memory_space<vmem_shared>>) target_semaphore(%run_scoped3A : memref<!tpu.dma_semaphore, #tpu.memory_space<semaphore_mem>>)
        %dma_wait3A = arith.constant 0 : i32
        %dma_wait3A_38 = tpu.memref_slice %arg10[%add3A_33, %dma_wait3A] : memref<10240x128xf32, #tpu.memory_space<vmem_shared>> -> memref<128x128xf32, #tpu.memory_space<vmem_shared>>
        %dma_wait3A_39 = arith.constant 0 : i32
        %dma_wait3A_40 = tpu.memref_slice %arg10[%add3A_33, %dma_wait3A_39] : memref<10240x128xf32, #tpu.memory_space<vmem_shared>> -> memref<128x128xf32, #tpu.memory_space<vmem_shared>>
        tpu.wait_dma2 semaphore(%run_scoped3A : memref<!tpu.dma_semaphore, #tpu.memory_space<semaphore_mem>>) src(%arg9 : memref<128x128xf32, #tpu.memory_space<vmem>>) dst(%dma_wait3A_40 : memref<128x128xf32, #tpu.memory_space<vmem_shared>>)
        tpu.yield
      }) : () -> ()
      %scan3A_34 = arith.constant 0 : i32
      scf.yield %scan3A_34 : i32
    }
    %scan3A_14 = arith.constant 5 : i32
    %barrier3A = arith.constant 0 : index
    tpu.barrier barrier_id(%barrier3A)
    %scan3A_15 = arith.constant 0 : i32
    %scan3A_16 = arith.constant 0 : i32
    %scan3A_17 = arith.constant 125 : i32
    %scan3A_18 = arith.addi %scan3A_16, %scan3A_17 : i32
    %scan3A_19 = arith.constant 1 : i32
    %scan3A_20 = scf.for %scan3A_27 = %scan3A_16 to %scan3A_18 step %scan3A_19 iter_args(%scan3A_28 = %scan3A_15) -> (i32)  : i32 {
      %mul3A_29 = arith.constant 10000 : i32
      %mul3A_30 = arith.muli %add3A, %mul3A_29 : i32
      %mul3A_31 = arith.constant 80 : i32
      %mul3A_32 = arith.muli %scan3A_27, %mul3A_31 : i32
      %add3A_33 = arith.addi %mul3A_30, %mul3A_32 : i32
      "tpu.region"() ({
        %run_scoped3A = tpu.sem_alloc : memref<!tpu.dma_semaphore, #tpu.memory_space<semaphore_mem>>
        %dma_start3A_39 = tpu.memref_slice %arg2[%add3A_33] : memref<320000xi32, #tpu.memory_space<hbm>> -> memref<80xi32, #tpu.memory_space<hbm>>
        %dma_start3A_40 = tpu.memref_slice %arg2[%add3A_33] : memref<320000xi32, #tpu.memory_space<hbm>> -> memref<80xi32, #tpu.memory_space<hbm>>
        tpu.enqueue_dma source(%dma_start3A_40 : memref<80xi32, #tpu.memory_space<hbm>>) target(%arg6 : memref<80xi32, #tpu.memory_space<vmem>>) target_semaphore(%run_scoped3A : memref<!tpu.dma_semaphore, #tpu.memory_space<semaphore_mem>>)
        %dma_wait3A_41 = tpu.memref_slice %arg2[%add3A_33] : memref<320000xi32, #tpu.memory_space<hbm>> -> memref<80xi32, #tpu.memory_space<hbm>>
        %dma_wait3A_42 = tpu.memref_slice %arg2[%add3A_33] : memref<320000xi32, #tpu.memory_space<hbm>> -> memref<80xi32, #tpu.memory_space<hbm>>
        tpu.wait_dma2 semaphore(%run_scoped3A : memref<!tpu.dma_semaphore, #tpu.memory_space<semaphore_mem>>) src(%dma_wait3A_42 : memref<80xi32, #tpu.memory_space<hbm>>) dst(%arg6 : memref<80xi32, #tpu.memory_space<vmem>>)
        tpu.yield
      }) : () -> ()
      "tpu.region"() ({
        %run_scoped3A = tpu.sem_alloc : memref<!tpu.dma_semaphore, #tpu.memory_space<semaphore_mem>>
        %dma_start3A_39 = tpu.memref_slice %arg3[%add3A_33] : memref<320000xi32, #tpu.memory_space<hbm>> -> memref<80xi32, #tpu.memory_space<hbm>>
        %dma_start3A_40 = tpu.memref_slice %arg3[%add3A_33] : memref<320000xi32, #tpu.memory_space<hbm>> -> memref<80xi32, #tpu.memory_space<hbm>>
        tpu.enqueue_dma source(%dma_start3A_40 : memref<80xi32, #tpu.memory_space<hbm>>) target(%arg7 : memref<80xi32, #tpu.memory_space<vmem>>) target_semaphore(%run_scoped3A : memref<!tpu.dma_semaphore, #tpu.memory_space<semaphore_mem>>)
        %dma_wait3A_41 = tpu.memref_slice %arg3[%add3A_33] : memref<320000xi32, #tpu.memory_space<hbm>> -> memref<80xi32, #tpu.memory_space<hbm>>
        %dma_wait3A_42 = tpu.memref_slice %arg3[%add3A_33] : memref<320000xi32, #tpu.memory_space<hbm>> -> memref<80xi32, #tpu.memory_space<hbm>>
        tpu.wait_dma2 semaphore(%run_scoped3A : memref<!tpu.dma_semaphore, #tpu.memory_space<semaphore_mem>>) src(%dma_wait3A_42 : memref<80xi32, #tpu.memory_space<hbm>>) dst(%arg7 : memref<80xi32, #tpu.memory_space<vmem>>)
        tpu.yield
      }) : () -> ()
      %dma_start3A = arith.constant 0 : i32
      %dma_start3A_34 = arith.constant 0 : i32
      %dma_start3A_35 = tpu.memref_slice %arg4[%dma_start3A, %dma_start3A_34] : memref<10000x128xf32, #tpu.memory_space<hbm>> -> memref<10000x128xf32, #tpu.memory_space<hbm>>
      tpu.enqueue_indirect_dma source(%dma_start3A_35 : memref<10000x128xf32, #tpu.memory_space<hbm>>) target(%arg8 : memref<80x128xf32, #tpu.memory_space<vmem>>) offsets(%arg6 : memref<80xi32, #tpu.memory_space<vmem>>) semaphore(%arg11 : memref<!tpu.dma_semaphore, #tpu.memory_space<semaphore_mem>>)
      %dma_wait3A = arith.constant 0 : i32
      %dma_wait3A_36 = arith.constant 0 : i32
      %dma_wait3A_37 = tpu.memref_slice %arg4[%dma_wait3A, %dma_wait3A_36] : memref<10000x128xf32, #tpu.memory_space<hbm>> -> memref<10000x128xf32, #tpu.memory_space<hbm>>
      tpu.wait_indirect_dma semaphore(%arg11 : memref<!tpu.dma_semaphore, #tpu.memory_space<semaphore_mem>>) src(%dma_wait3A_37 : memref<10000x128xf32, #tpu.memory_space<hbm>>) dst(%arg8 : memref<80x128xf32, #tpu.memory_space<vmem>>)
      "tpu.region"() ({
        %run_scoped3A = tpu.sem_alloc : memref<!tpu.dma_semaphore, #tpu.memory_space<semaphore_mem>>
        %dma_start3A_39 = arith.constant 0 : i32
        %dma_start3A_40 = arith.constant 0 : i32
        %dma_start3A_41 = tpu.memref_slice %arg10[%dma_start3A_39, %dma_start3A_40] : memref<10240x128xf32, #tpu.memory_space<vmem_shared>> -> memref<10240x128xf32, #tpu.memory_space<vmem_shared>>
        tpu.enqueue_indirect_dma source(%arg8 : memref<80x128xf32, #tpu.memory_space<vmem>>) target(%dma_start3A_41 : memref<10240x128xf32, #tpu.memory_space<vmem_shared>>) offsets(%arg7 : memref<80xi32, #tpu.memory_space<vmem>>) semaphore(%run_scoped3A : memref<!tpu.dma_semaphore, #tpu.memory_space<semaphore_mem>>) {add = true}
        %dma_wait3A_42 = arith.constant 0 : i32
        %dma_wait3A_43 = arith.constant 0 : i32
        %dma_wait3A_44 = tpu.memref_slice %arg10[%dma_wait3A_42, %dma_wait3A_43] : memref<10240x128xf32, #tpu.memory_space<vmem_shared>> -> memref<10240x128xf32, #tpu.memory_space<vmem_shared>>
        tpu.wait_indirect_dma semaphore(%run_scoped3A : memref<!tpu.dma_semaphore, #tpu.memory_space<semaphore_mem>>) src(%arg8 : memref<80x128xf32, #tpu.memory_space<vmem>>) dst(%dma_wait3A_44 : memref<10240x128xf32, #tpu.memory_space<vmem_shared>>)
        tpu.yield
      }) : () -> ()
      %scan3A_38 = arith.constant 0 : i32
      scf.yield %scan3A_38 : i32
    }
    %scan3A_21 = arith.constant 125 : i32
    %barrier3A_22 = arith.constant 0 : index
    tpu.barrier barrier_id(%barrier3A_22)
    %mul3A_23 = arith.constant 640 : i32
    %mul3A_24 = arith.muli %arg1, %mul3A_23 : i32
    %mul3A_25 = arith.constant 640 : i32
    %mul3A_26 = arith.muli %arg1, %mul3A_25 : i32
    "tpu.region"() ({
      %run_scoped3A = tpu.sem_alloc : memref<!tpu.dma_semaphore, #tpu.memory_space<semaphore_mem>>
      %dma_start3A = arith.constant 0 : i32
      %dma_start3A_27 = tpu.memref_slice %arg5[%arg0, %mul3A_26, %dma_start3A] : memref<2x10240x128xf32, #tpu.memory_space<hbm>> -> memref<1x640x128xf32, #tpu.memory_space<hbm>>
      %dma_start3A_28 = tpu.memref_squeeze %dma_start3A_27 : memref<1x640x128xf32, #tpu.memory_space<hbm>> -> memref<640x128xf32, #tpu.memory_space<hbm>>
      %dma_start3A_29 = arith.constant 0 : i32
      %dma_start3A_30 = tpu.memref_slice %arg10[%mul3A_24, %dma_start3A_29] : memref<10240x128xf32, #tpu.memory_space<vmem_shared>> -> memref<640x128xf32, #tpu.memory_space<vmem_shared>>
      tpu.enqueue_dma source(%dma_start3A_30 : memref<640x128xf32, #tpu.memory_space<vmem_shared>>) target(%dma_start3A_28 : memref<640x128xf32, #tpu.memory_space<hbm>>) target_semaphore(%run_scoped3A : memref<!tpu.dma_semaphore, #tpu.memory_space<semaphore_mem>>)
      %dma_wait3A = arith.constant 0 : i32
      %dma_wait3A_31 = tpu.memref_slice %arg5[%arg0, %mul3A_26, %dma_wait3A] : memref<2x10240x128xf32, #tpu.memory_space<hbm>> -> memref<1x640x128xf32, #tpu.memory_space<hbm>>
      %dma_wait3A_32 = tpu.memref_squeeze %dma_wait3A_31 : memref<1x640x128xf32, #tpu.memory_space<hbm>> -> memref<640x128xf32, #tpu.memory_space<hbm>>
      %dma_wait3A_33 = arith.constant 0 : i32
      %dma_wait3A_34 = tpu.memref_slice %arg10[%mul3A_24, %dma_wait3A_33] : memref<10240x128xf32, #tpu.memory_space<vmem_shared>> -> memref<640x128xf32, #tpu.memory_space<vmem_shared>>
      tpu.wait_dma2 semaphore(%run_scoped3A : memref<!tpu.dma_semaphore, #tpu.memory_space<semaphore_mem>>) src(%dma_wait3A_34 : memref<640x128xf32, #tpu.memory_space<vmem_shared>>) dst(%dma_wait3A_32 : memref<640x128xf32, #tpu.memory_space<hbm>>)
      tpu.yield
    }) : () -> ()
    return
  }
}

#map = affine_map<(d0, d1) -> (0)>
#map1 = affine_map<(d0, d1) -> (0, 0, 0)>
module attributes {stable_mosaic.version = 14 : i64} {
  func.func @_sc_degree(%arg0: i32, %arg1: i32, %arg2: memref<320000xi32, #tpu.memory_space<hbm>>, %arg3: memref<2x10240x128xf32, #tpu.memory_space<hbm>>, %arg4: memref<80xi32, #tpu.memory_space<vmem>>, %arg5: memref<80x128xf32, #tpu.memory_space<vmem>>, %arg6: memref<128x128xf32, #tpu.memory_space<vmem>>, %arg7: memref<10240x128xf32, #tpu.memory_space<vmem_shared>>) attributes {dimension_semantics = [#tpu.dimension_semantics<core_parallel>, #tpu.dimension_semantics<subcore_parallel>], iteration_bounds = array<i64: 2, 16>, scalar_prefetch = 0 : i64, scratch_operands = 4 : i64, tpu.core_type = #tpu.core_type<sc_vector_subcore>, window_params = [{transform_indices = #map}, {transform_indices = #map1}]} {
    %mul3A = arith.constant 16 : i32
    %mul3A_0 = arith.muli %arg0, %mul3A : i32
    %add3A = arith.addi %mul3A_0, %arg1 : i32
    %broadcast_in_dim3A = arith.constant 1.000000e+00 : f32
    %broadcast_in_dim3A_1 = vector.broadcast %broadcast_in_dim3A : f32 to vector<16xf32>
    %scan3A = arith.constant 0 : i32
    %scan3A_2 = arith.constant 0 : i32
    %scan3A_3 = arith.constant 640 : i32
    %scan3A_4 = arith.addi %scan3A_2, %scan3A_3 : i32
    %scan3A_5 = arith.constant 1 : i32
    %scan3A_6 = scf.for %scan3A_36 = %scan3A_2 to %scan3A_4 step %scan3A_5 iter_args(%scan3A_37 = %scan3A) -> (i32)  : i32 {
      %jit3A = arith.constant 8 : i32
      %div3A = arith.divsi %scan3A_36, %jit3A : i32
      %sign3A = arith.constant 0 : i32
      %sign3A_38 = arith.cmpi sgt, %scan3A_36, %sign3A : i32
      %sign3A_39 = arith.extui %sign3A_38 : i1 to i32
      %sign3A_40 = arith.constant 0 : i32
      %sign3A_41 = arith.cmpi slt, %scan3A_36, %sign3A_40 : i32
      %sign3A_42 = arith.extui %sign3A_41 : i1 to i32
      %sign3A_43 = arith.subi %sign3A_39, %sign3A_42 : i32
      %sign3A_44 = arith.constant 0 : i32
      %sign3A_45 = arith.cmpi sgt, %jit3A, %sign3A_44 : i32
      %sign3A_46 = arith.extui %sign3A_45 : i1 to i32
      %sign3A_47 = arith.constant 0 : i32
      %sign3A_48 = arith.cmpi slt, %jit3A, %sign3A_47 : i32
      %sign3A_49 = arith.extui %sign3A_48 : i1 to i32
      %sign3A_50 = arith.subi %sign3A_46, %sign3A_49 : i32
      %ne3A = arith.cmpi ne, %sign3A_43, %sign3A_50 : i32
      %rem3A = arith.remsi %scan3A_36, %jit3A : i32
      %ne3A_51 = arith.constant 0 : i32
      %ne3A_52 = arith.cmpi ne, %rem3A, %ne3A_51 : i32
      %and3A = arith.andi %ne3A, %ne3A_52 : i1
      %sub3A = arith.constant 1 : i32
      %sub3A_53 = arith.subi %div3A, %sub3A : i32
      %select_n3A = arith.select %and3A, %sub3A_53, %div3A : i32
      %jit3A_54 = arith.constant 8 : i32
      %eq3A = arith.constant 0 : i32
      %eq3A_55 = arith.cmpi eq, %jit3A_54, %eq3A : i32
      %jit3A_56 = arith.constant 1 : i32
      %select_n3A_57 = arith.select %eq3A_55, %jit3A_56, %jit3A_54 : i32
      %rem3A_58 = arith.remsi %scan3A_36, %select_n3A_57 : i32
      %ne3A_59 = arith.constant 0 : i32
      %ne3A_60 = arith.cmpi ne, %rem3A_58, %ne3A_59 : i32
      %lt3A = arith.constant 0 : i32
      %lt3A_61 = arith.cmpi slt, %rem3A_58, %lt3A : i32
      %lt3A_62 = arith.constant 0 : i32
      %lt3A_63 = arith.cmpi slt, %select_n3A_57, %lt3A_62 : i32
      %ne3A_64 = arith.xori %lt3A_61, %lt3A_63 : i1
      %and3A_65 = arith.andi %ne3A_64, %ne3A_60 : i1
      %add3A_66 = arith.addi %rem3A_58, %select_n3A_57 : i32
      %select_n3A_67 = arith.select %and3A_65, %add3A_66, %rem3A_58 : i32
      %mul3A_68 = arith.constant 16 : i32
      %mul3A_69 = arith.muli %select_n3A_67, %mul3A_68 : i32
      %swap3A = arith.index_cast %select_n3A : i32 to index
      %swap3A_70 = arith.index_cast %mul3A_69 : i32 to index
      %swap3A_71 = tpu.vector_load %arg5[%swap3A, %swap3A_70] {strides = array<i32>} : memref<80x128xf32, #tpu.memory_space<vmem>>, vector<1x16xf32>,
      %swap3A_72 = vector.shape_cast %swap3A_71 : vector<1x16xf32> to vector<16xf32>
      %swap3A_73 = vector.shape_cast %broadcast_in_dim3A_1 : vector<16xf32> to vector<1x16xf32>
      tpu.vector_store %arg5[%swap3A, %swap3A_70], %swap3A_73 {strides = array<i32>} : memref<80x128xf32, #tpu.memory_space<vmem>>, vector<1x16xf32>,
      %scan3A_74 = arith.constant 0 : i32
      scf.yield %scan3A_74 : i32
    }
    %scan3A_7 = arith.constant 640 : i32
    %broadcast_in_dim3A_8 = arith.constant 0.000000e+00 : f32
    %broadcast_in_dim3A_9 = vector.broadcast %broadcast_in_dim3A_8 : f32 to vector<16xf32>
    %scan3A_10 = arith.constant 0 : i32
    %scan3A_11 = arith.constant 0 : i32
    %scan3A_12 = arith.constant 1024 : i32
    %scan3A_13 = arith.addi %scan3A_11, %scan3A_12 : i32
    %scan3A_14 = arith.constant 1 : i32
    %scan3A_15 = scf.for %scan3A_36 = %scan3A_11 to %scan3A_13 step %scan3A_14 iter_args(%scan3A_37 = %scan3A_10) -> (i32)  : i32 {
      %jit3A = arith.constant 8 : i32
      %div3A = arith.divsi %scan3A_36, %jit3A : i32
      %sign3A = arith.constant 0 : i32
      %sign3A_38 = arith.cmpi sgt, %scan3A_36, %sign3A : i32
      %sign3A_39 = arith.extui %sign3A_38 : i1 to i32
      %sign3A_40 = arith.constant 0 : i32
      %sign3A_41 = arith.cmpi slt, %scan3A_36, %sign3A_40 : i32
      %sign3A_42 = arith.extui %sign3A_41 : i1 to i32
      %sign3A_43 = arith.subi %sign3A_39, %sign3A_42 : i32
      %sign3A_44 = arith.constant 0 : i32
      %sign3A_45 = arith.cmpi sgt, %jit3A, %sign3A_44 : i32
      %sign3A_46 = arith.extui %sign3A_45 : i1 to i32
      %sign3A_47 = arith.constant 0 : i32
      %sign3A_48 = arith.cmpi slt, %jit3A, %sign3A_47 : i32
      %sign3A_49 = arith.extui %sign3A_48 : i1 to i32
      %sign3A_50 = arith.subi %sign3A_46, %sign3A_49 : i32
      %ne3A = arith.cmpi ne, %sign3A_43, %sign3A_50 : i32
      %rem3A = arith.remsi %scan3A_36, %jit3A : i32
      %ne3A_51 = arith.constant 0 : i32
      %ne3A_52 = arith.cmpi ne, %rem3A, %ne3A_51 : i32
      %and3A = arith.andi %ne3A, %ne3A_52 : i1
      %sub3A = arith.constant 1 : i32
      %sub3A_53 = arith.subi %div3A, %sub3A : i32
      %select_n3A = arith.select %and3A, %sub3A_53, %div3A : i32
      %jit3A_54 = arith.constant 8 : i32
      %eq3A = arith.constant 0 : i32
      %eq3A_55 = arith.cmpi eq, %jit3A_54, %eq3A : i32
      %jit3A_56 = arith.constant 1 : i32
      %select_n3A_57 = arith.select %eq3A_55, %jit3A_56, %jit3A_54 : i32
      %rem3A_58 = arith.remsi %scan3A_36, %select_n3A_57 : i32
      %ne3A_59 = arith.constant 0 : i32
      %ne3A_60 = arith.cmpi ne, %rem3A_58, %ne3A_59 : i32
      %lt3A = arith.constant 0 : i32
      %lt3A_61 = arith.cmpi slt, %rem3A_58, %lt3A : i32
      %lt3A_62 = arith.constant 0 : i32
      %lt3A_63 = arith.cmpi slt, %select_n3A_57, %lt3A_62 : i32
      %ne3A_64 = arith.xori %lt3A_61, %lt3A_63 : i1
      %and3A_65 = arith.andi %ne3A_64, %ne3A_60 : i1
      %add3A_66 = arith.addi %rem3A_58, %select_n3A_57 : i32
      %select_n3A_67 = arith.select %and3A_65, %add3A_66, %rem3A_58 : i32
      %mul3A_68 = arith.constant 16 : i32
      %mul3A_69 = arith.muli %select_n3A_67, %mul3A_68 : i32
      %swap3A = arith.index_cast %select_n3A : i32 to index
      %swap3A_70 = arith.index_cast %mul3A_69 : i32 to index
      %swap3A_71 = tpu.vector_load %arg6[%swap3A, %swap3A_70] {strides = array<i32>} : memref<128x128xf32, #tpu.memory_space<vmem>>, vector<1x16xf32>,
      %swap3A_72 = vector.shape_cast %swap3A_71 : vector<1x16xf32> to vector<16xf32>
      %swap3A_73 = vector.shape_cast %broadcast_in_dim3A_9 : vector<16xf32> to vector<1x16xf32>
      tpu.vector_store %arg6[%swap3A, %swap3A_70], %swap3A_73 {strides = array<i32>} : memref<128x128xf32, #tpu.memory_space<vmem>>, vector<1x16xf32>,
      %scan3A_74 = arith.constant 0 : i32
      scf.yield %scan3A_74 : i32
    }
    %scan3A_16 = arith.constant 1024 : i32
    %scan3A_17 = arith.constant 0 : i32
    %scan3A_18 = arith.constant 0 : i32
    %scan3A_19 = arith.constant 5 : i32
    %scan3A_20 = arith.addi %scan3A_18, %scan3A_19 : i32
    %scan3A_21 = arith.constant 1 : i32
    %scan3A_22 = scf.for %scan3A_36 = %scan3A_18 to %scan3A_20 step %scan3A_21 iter_args(%scan3A_37 = %scan3A_17) -> (i32)  : i32 {
      %mul3A_38 = arith.constant 640 : i32
      %mul3A_39 = arith.muli %arg1, %mul3A_38 : i32
      %mul3A_40 = arith.constant 128 : i32
      %mul3A_41 = arith.muli %scan3A_36, %mul3A_40 : i32
      %add3A_42 = arith.addi %mul3A_39, %mul3A_41 : i32
      "tpu.region"() ({
        %run_scoped3A = tpu.sem_alloc : memref<!tpu.dma_semaphore, #tpu.memory_space<semaphore_mem>>
        %dma_start3A = arith.constant 0 : i32
        %dma_start3A_44 = tpu.memref_slice %arg7[%add3A_42, %dma_start3A] : memref<10240x128xf32, #tpu.memory_space<vmem_shared>> -> memref<128x128xf32, #tpu.memory_space<vmem_shared>>
        %dma_start3A_45 = arith.constant 0 : i32
        %dma_start3A_46 = tpu.memref_slice %arg7[%add3A_42, %dma_start3A_45] : memref<10240x128xf32, #tpu.memory_space<vmem_shared>> -> memref<128x128xf32, #tpu.memory_space<vmem_shared>>
        tpu.enqueue_dma source(%arg6 : memref<128x128xf32, #tpu.memory_space<vmem>>) target(%dma_start3A_46 : memref<128x128xf32, #tpu.memory_space<vmem_shared>>) target_semaphore(%run_scoped3A : memref<!tpu.dma_semaphore, #tpu.memory_space<semaphore_mem>>)
        %dma_wait3A = arith.constant 0 : i32
        %dma_wait3A_47 = tpu.memref_slice %arg7[%add3A_42, %dma_wait3A] : memref<10240x128xf32, #tpu.memory_space<vmem_shared>> -> memref<128x128xf32, #tpu.memory_space<vmem_shared>>
        %dma_wait3A_48 = arith.constant 0 : i32
        %dma_wait3A_49 = tpu.memref_slice %arg7[%add3A_42, %dma_wait3A_48] : memref<10240x128xf32, #tpu.memory_space<vmem_shared>> -> memref<128x128xf32, #tpu.memory_space<vmem_shared>>
        tpu.wait_dma2 semaphore(%run_scoped3A : memref<!tpu.dma_semaphore, #tpu.memory_space<semaphore_mem>>) src(%arg6 : memref<128x128xf32, #tpu.memory_space<vmem>>) dst(%dma_wait3A_49 : memref<128x128xf32, #tpu.memory_space<vmem_shared>>)
        tpu.yield
      }) : () -> ()
      %scan3A_43 = arith.constant 0 : i32
      scf.yield %scan3A_43 : i32
    }
    %scan3A_23 = arith.constant 5 : i32
    %barrier3A = arith.constant 0 : index
    tpu.barrier barrier_id(%barrier3A)
    %scan3A_24 = arith.constant 0 : i32
    %scan3A_25 = arith.constant 0 : i32
    %scan3A_26 = arith.constant 125 : i32
    %scan3A_27 = arith.addi %scan3A_25, %scan3A_26 : i32
    %scan3A_28 = arith.constant 1 : i32
    %scan3A_29 = scf.for %scan3A_36 = %scan3A_25 to %scan3A_27 step %scan3A_28 iter_args(%scan3A_37 = %scan3A_24) -> (i32)  : i32 {
      %mul3A_38 = arith.constant 10000 : i32
      %mul3A_39 = arith.muli %add3A, %mul3A_38 : i32
      %mul3A_40 = arith.constant 80 : i32
      %mul3A_41 = arith.muli %scan3A_36, %mul3A_40 : i32
      %add3A_42 = arith.addi %mul3A_39, %mul3A_41 : i32
      "tpu.region"() ({
        %run_scoped3A = tpu.sem_alloc : memref<!tpu.dma_semaphore, #tpu.memory_space<semaphore_mem>>
        %dma_start3A = tpu.memref_slice %arg2[%add3A_42] : memref<320000xi32, #tpu.memory_space<hbm>> -> memref<80xi32, #tpu.memory_space<hbm>>
        %dma_start3A_44 = tpu.memref_slice %arg2[%add3A_42] : memref<320000xi32, #tpu.memory_space<hbm>> -> memref<80xi32, #tpu.memory_space<hbm>>
        tpu.enqueue_dma source(%dma_start3A_44 : memref<80xi32, #tpu.memory_space<hbm>>) target(%arg4 : memref<80xi32, #tpu.memory_space<vmem>>) target_semaphore(%run_scoped3A : memref<!tpu.dma_semaphore, #tpu.memory_space<semaphore_mem>>)
        %dma_wait3A = tpu.memref_slice %arg2[%add3A_42] : memref<320000xi32, #tpu.memory_space<hbm>> -> memref<80xi32, #tpu.memory_space<hbm>>
        %dma_wait3A_45 = tpu.memref_slice %arg2[%add3A_42] : memref<320000xi32, #tpu.memory_space<hbm>> -> memref<80xi32, #tpu.memory_space<hbm>>
        tpu.wait_dma2 semaphore(%run_scoped3A : memref<!tpu.dma_semaphore, #tpu.memory_space<semaphore_mem>>) src(%dma_wait3A_45 : memref<80xi32, #tpu.memory_space<hbm>>) dst(%arg4 : memref<80xi32, #tpu.memory_space<vmem>>)
        tpu.yield
      }) : () -> ()
      "tpu.region"() ({
        %run_scoped3A = tpu.sem_alloc : memref<!tpu.dma_semaphore, #tpu.memory_space<semaphore_mem>>
        %dma_start3A = arith.constant 0 : i32
        %dma_start3A_44 = arith.constant 0 : i32
        %dma_start3A_45 = tpu.memref_slice %arg7[%dma_start3A, %dma_start3A_44] : memref<10240x128xf32, #tpu.memory_space<vmem_shared>> -> memref<10240x128xf32, #tpu.memory_space<vmem_shared>>
        tpu.enqueue_indirect_dma source(%arg5 : memref<80x128xf32, #tpu.memory_space<vmem>>) target(%dma_start3A_45 : memref<10240x128xf32, #tpu.memory_space<vmem_shared>>) offsets(%arg4 : memref<80xi32, #tpu.memory_space<vmem>>) semaphore(%run_scoped3A : memref<!tpu.dma_semaphore, #tpu.memory_space<semaphore_mem>>) {add = true}
        %dma_wait3A = arith.constant 0 : i32
        %dma_wait3A_46 = arith.constant 0 : i32
        %dma_wait3A_47 = tpu.memref_slice %arg7[%dma_wait3A, %dma_wait3A_46] : memref<10240x128xf32, #tpu.memory_space<vmem_shared>> -> memref<10240x128xf32, #tpu.memory_space<vmem_shared>>
        tpu.wait_indirect_dma semaphore(%run_scoped3A : memref<!tpu.dma_semaphore, #tpu.memory_space<semaphore_mem>>) src(%arg5 : memref<80x128xf32, #tpu.memory_space<vmem>>) dst(%dma_wait3A_47 : memref<10240x128xf32, #tpu.memory_space<vmem_shared>>)
        tpu.yield
      }) : () -> ()
      %scan3A_43 = arith.constant 0 : i32
      scf.yield %scan3A_43 : i32
    }
    %scan3A_30 = arith.constant 125 : i32
    %barrier3A_31 = arith.constant 0 : index
    tpu.barrier barrier_id(%barrier3A_31)
    %mul3A_32 = arith.constant 640 : i32
    %mul3A_33 = arith.muli %arg1, %mul3A_32 : i32
    %mul3A_34 = arith.constant 640 : i32
    %mul3A_35 = arith.muli %arg1, %mul3A_34 : i32
    "tpu.region"() ({
      %run_scoped3A = tpu.sem_alloc : memref<!tpu.dma_semaphore, #tpu.memory_space<semaphore_mem>>
      %dma_start3A = arith.constant 0 : i32
      %dma_start3A_36 = tpu.memref_slice %arg3[%arg0, %mul3A_35, %dma_start3A] : memref<2x10240x128xf32, #tpu.memory_space<hbm>> -> memref<1x640x128xf32, #tpu.memory_space<hbm>>
      %dma_start3A_37 = tpu.memref_squeeze %dma_start3A_36 : memref<1x640x128xf32, #tpu.memory_space<hbm>> -> memref<640x128xf32, #tpu.memory_space<hbm>>
      %dma_start3A_38 = arith.constant 0 : i32
      %dma_start3A_39 = tpu.memref_slice %arg7[%mul3A_33, %dma_start3A_38] : memref<10240x128xf32, #tpu.memory_space<vmem_shared>> -> memref<640x128xf32, #tpu.memory_space<vmem_shared>>
      tpu.enqueue_dma source(%dma_start3A_39 : memref<640x128xf32, #tpu.memory_space<vmem_shared>>) target(%dma_start3A_37 : memref<640x128xf32, #tpu.memory_space<hbm>>) target_semaphore(%run_scoped3A : memref<!tpu.dma_semaphore, #tpu.memory_space<semaphore_mem>>)
      %dma_wait3A = arith.constant 0 : i32
      %dma_wait3A_40 = tpu.memref_slice %arg3[%arg0, %mul3A_35, %dma_wait3A] : memref<2x10240x128xf32, #tpu.memory_space<hbm>> -> memref<1x640x128xf32, #tpu.memory_space<hbm>>
      %dma_wait3A_41 = tpu.memref_squeeze %dma_wait3A_40 : memref<1x640x128xf32, #tpu.memory_space<hbm>> -> memref<640x128xf32, #tpu.memory_space<hbm>>
      %dma_wait3A_42 = arith.constant 0 : i32
      %dma_wait3A_43 = tpu.memref_slice %arg7[%mul3A_33, %dma_wait3A_42] : memref<10240x128xf32, #tpu.memory_space<vmem_shared>> -> memref<640x128xf32, #tpu.memory_space<vmem_shared>>
      tpu.wait_dma2 semaphore(%run_scoped3A : memref<!tpu.dma_semaphore, #tpu.memory_space<semaphore_mem>>) src(%dma_wait3A_43 : memref<640x128xf32, #tpu.memory_space<vmem_shared>>) dst(%dma_wait3A_41 : memref<640x128xf32, #tpu.memory_space<hbm>>)
      tpu.yield
    }) : () -> ()
    return
  }
}

module attributes {stable_mosaic.version = 14 : i64} {
  func.func @_tc_h1_body(%arg0: i32, %arg1: memref<2000x128xf32, #tpu.memory_space<vmem>>, %arg2: memref<128x128xf32, #tpu.memory_space<vmem>>, %arg3: memref<2000x128xf32, #tpu.memory_space<vmem>>, %arg4: memref<2000x128xf32, #tpu.memory_space<vmem>>, %arg5: memref<2000x128xf32, #tpu.memory_space<vmem>>) attributes {dimension_semantics = [#tpu.dimension_semantics<arbitrary>], iteration_bounds = array<i64: 5>, scalar_prefetch = 0 : i64, scratch_operands = 0 : i64, tpu.core_type = #tpu.core_type<tc>, window_params = [{transform_indices = @transform_0, window_bounds = array<i64: 2000, 128>}, {pipeline_mode = #tpu.pipeline_mode<synchronous>, transform_indices = @transform_1, window_bounds = array<i64: 128, 128>}, {transform_indices = @transform_2, window_bounds = array<i64: 2000, 128>}, {transform_indices = @transform_3, window_bounds = array<i64: 2000, 128>}, {transform_indices = @transform_4, window_bounds = array<i64: 2000, 128>}]} {
    %get3A = arith.constant 0 : index
    %get3A_0 = arith.constant 0 : index
    %get3A_1 = vector.load %arg3[%get3A, %get3A_0] : memref<2000x128xf32, #tpu.memory_space<vmem>>, vector<2000x1xf32>
    %get3A_2 = arith.constant 0 : index
    %get3A_3 = arith.constant 0 : index
    %get3A_4 = vector.load %arg4[%get3A_2, %get3A_3] : memref<2000x128xf32, #tpu.memory_space<vmem>>, vector<2000x1xf32>
    %add3A = arith.addf %get3A_1, %get3A_4 : vector<2000x1xf32>
    %add3A_5 = arith.constant 1.000000e+00 : f32
    %add3A_6 = vector.broadcast %add3A_5 : f32 to vector<2000x1xf32>
    %add3A_7 = arith.addf %add3A, %add3A_6 : vector<2000x1xf32>
    %rsqrt3A = math.rsqrt %add3A_7 : vector<2000x1xf32>
    %get3A_8 = arith.constant 0 : index
    %get3A_9 = arith.constant 0 : index
    %get3A_10 = vector.load %arg1[%get3A_8, %get3A_9] : memref<2000x128xf32, #tpu.memory_space<vmem>>, vector<2000x128xf32>
    %get3A_11 = arith.constant 0 : index
    %get3A_12 = arith.constant 0 : index
    %get3A_13 = vector.load %arg2[%get3A_11, %get3A_12] : memref<128x128xf32, #tpu.memory_space<vmem>>, vector<128x128xf32>
    %dot_general3A = arith.constant dense<0.000000e+00> : vector<2000x128xf32>
    %dot_general3A_14 = tpu.matmul %get3A_10, %get3A_13, %dot_general3A {dimension_numbers = #tpu.dot_dimension_numbers<[1], [0], [0], [1], [0, 0, 1, 1], [], []>, transpose_lhs_hint = false} : vector<2000x128xf32>, vector<128x128xf32>, vector<2000x128xf32> -> vector<2000x128xf32>
    %mul3A = vector.broadcast %rsqrt3A : vector<2000x1xf32> to vector<2000x128xf32>
    %mul3A_15 = arith.mulf %dot_general3A_14, %mul3A : vector<2000x128xf32>
    %swap3A = arith.constant 0 : index
    %swap3A_16 = arith.constant 0 : index
    %swap3A_17 = vector.load %arg5[%swap3A, %swap3A_16] : memref<2000x128xf32, #tpu.memory_space<vmem>>, vector<2000x128xf32>
    tpu.vector_store %arg5[%swap3A, %swap3A_16], %mul3A_15 {strides = array<i32>} : memref<2000x128xf32, #tpu.memory_space<vmem>>, vector<2000x128xf32>,
    return
  }
  func.func @transform_0(%arg0: i32) -> (i32, i32) {
    %c0_i32 = arith.constant 0 : i32
    %c0_i32_0 = arith.constant 0 : i32
    return %arg0, %c0_i32 : i32, i32
  }
  func.func @transform_1(%arg0: i32) -> (i32, i32) {
    %c0_i32 = arith.constant 0 : i32
    %c0_i32_0 = arith.constant 0 : i32
    %c0_i32_1 = arith.constant 0 : i32
    return %c0_i32, %c0_i32_0 : i32, i32
  }
  func.func @transform_2(%arg0: i32) -> (i32, i32) {
    %c0_i32 = arith.constant 0 : i32
    %c0_i32_0 = arith.constant 0 : i32
    return %arg0, %c0_i32 : i32, i32
  }
  func.func @transform_3(%arg0: i32) -> (i32, i32) {
    %c0_i32 = arith.constant 0 : i32
    %c0_i32_0 = arith.constant 0 : i32
    return %arg0, %c0_i32 : i32, i32
  }
  func.func @transform_4(%arg0: i32) -> (i32, i32) {
    %c0_i32 = arith.constant 0 : i32
    %c0_i32_0 = arith.constant 0 : i32
    return %arg0, %c0_i32 : i32, i32
  }
}

module attributes {stable_mosaic.version = 14 : i64} {
  func.func @_tc_mid_body(%arg0: i32, %arg1: memref<2000x128xf32, #tpu.memory_space<vmem>>, %arg2: memref<2000x128xf32, #tpu.memory_space<vmem>>, %arg3: memref<2000x128xf32, #tpu.memory_space<vmem>>, %arg4: memref<2000x128xf32, #tpu.memory_space<vmem>>, %arg5: memref<2000x128xf32, #tpu.memory_space<vmem>>, %arg6: memref<1x128xf32, #tpu.memory_space<vmem>>, %arg7: memref<128x128xf32, #tpu.memory_space<vmem>>, %arg8: memref<2000x128xf32, #tpu.memory_space<vmem>>) attributes {dimension_semantics = [#tpu.dimension_semantics<arbitrary>], iteration_bounds = array<i64: 5>, scalar_prefetch = 0 : i64, scratch_operands = 0 : i64, tpu.core_type = #tpu.core_type<tc>, window_params = [{transform_indices = @transform_0, window_bounds = array<i64: 2000, 128>}, {transform_indices = @transform_1, window_bounds = array<i64: 2000, 128>}, {transform_indices = @transform_2, window_bounds = array<i64: 2000, 128>}, {transform_indices = @transform_3, window_bounds = array<i64: 2000, 128>}, {transform_indices = @transform_4, window_bounds = array<i64: 2000, 128>}, {pipeline_mode = #tpu.pipeline_mode<synchronous>, transform_indices = @transform_5, window_bounds = array<i64: 1, 128>}, {pipeline_mode = #tpu.pipeline_mode<synchronous>, transform_indices = @transform_6, window_bounds = array<i64: 128, 128>}, {transform_indices = @transform_7, window_bounds = array<i64: 2000, 128>}]} {
    %get3A = arith.constant 0 : index
    %get3A_0 = arith.constant 0 : index
    %get3A_1 = vector.load %arg4[%get3A, %get3A_0] : memref<2000x128xf32, #tpu.memory_space<vmem>>, vector<2000x1xf32>
    %get3A_2 = arith.constant 0 : index
    %get3A_3 = arith.constant 0 : index
    %get3A_4 = vector.load %arg5[%get3A_2, %get3A_3] : memref<2000x128xf32, #tpu.memory_space<vmem>>, vector<2000x1xf32>
    %add3A = arith.addf %get3A_1, %get3A_4 : vector<2000x1xf32>
    %add3A_5 = arith.constant 1.000000e+00 : f32
    %add3A_6 = vector.broadcast %add3A_5 : f32 to vector<2000x1xf32>
    %add3A_7 = arith.addf %add3A, %add3A_6 : vector<2000x1xf32>
    %rsqrt3A = math.rsqrt %add3A_7 : vector<2000x1xf32>
    %get3A_8 = arith.constant 0 : index
    %get3A_9 = arith.constant 0 : index
    %get3A_10 = vector.load %arg1[%get3A_8, %get3A_9] : memref<2000x128xf32, #tpu.memory_space<vmem>>, vector<2000x128xf32>
    %get3A_11 = arith.constant 0 : index
    %get3A_12 = arith.constant 0 : index
    %get3A_13 = vector.load %arg2[%get3A_11, %get3A_12] : memref<2000x128xf32, #tpu.memory_space<vmem>>, vector<2000x128xf32>
    %add3A_14 = arith.addf %get3A_10, %get3A_13 : vector<2000x128xf32>
    %get3A_15 = arith.constant 0 : index
    %get3A_16 = arith.constant 0 : index
    %get3A_17 = vector.load %arg3[%get3A_15, %get3A_16] : memref<2000x128xf32, #tpu.memory_space<vmem>>, vector<2000x128xf32>
    %add3A_18 = arith.addf %add3A_14, %get3A_17 : vector<2000x128xf32>
    %mul3A = vector.broadcast %rsqrt3A : vector<2000x1xf32> to vector<2000x128xf32>
    %mul3A_19 = arith.mulf %add3A_18, %mul3A : vector<2000x128xf32>
    %get3A_20 = arith.constant 0 : index
    %get3A_21 = arith.constant 0 : index
    %get3A_22 = vector.load %arg6[%get3A_20, %get3A_21] : memref<1x128xf32, #tpu.memory_space<vmem>>, vector<1x128xf32>
    %add3A_23 = vector.broadcast %get3A_22 : vector<1x128xf32> to vector<2000x128xf32>
    %add3A_24 = arith.addf %mul3A_19, %add3A_23 : vector<2000x128xf32>
    %max3A = arith.constant 0.000000e+00 : f32
    %max3A_25 = vector.broadcast %max3A : f32 to vector<2000x128xf32>
    %max3A_26 = arith.maximumf %add3A_24, %max3A_25 : vector<2000x128xf32>
    %get3A_27 = arith.constant 0 : index
    %get3A_28 = arith.constant 0 : index
    %get3A_29 = vector.load %arg7[%get3A_27, %get3A_28] : memref<128x128xf32, #tpu.memory_space<vmem>>, vector<128x128xf32>
    %dot_general3A = arith.constant dense<0.000000e+00> : vector<2000x128xf32>
    %dot_general3A_30 = tpu.matmul %max3A_26, %get3A_29, %dot_general3A {dimension_numbers = #tpu.dot_dimension_numbers<[1], [0], [0], [1], [0, 0, 1, 1], [], []>, transpose_lhs_hint = false} : vector<2000x128xf32>, vector<128x128xf32>, vector<2000x128xf32> -> vector<2000x128xf32>
    %mul3A_31 = vector.broadcast %rsqrt3A : vector<2000x1xf32> to vector<2000x128xf32>
    %mul3A_32 = arith.mulf %dot_general3A_30, %mul3A_31 : vector<2000x128xf32>
    %swap3A = arith.constant 0 : index
    %swap3A_33 = arith.constant 0 : index
    %swap3A_34 = vector.load %arg8[%swap3A, %swap3A_33] : memref<2000x128xf32, #tpu.memory_space<vmem>>, vector<2000x128xf32>
    tpu.vector_store %arg8[%swap3A, %swap3A_33], %mul3A_32 {strides = array<i32>} : memref<2000x128xf32, #tpu.memory_space<vmem>>, vector<2000x128xf32>,
    return
  }
  func.func @transform_0(%arg0: i32) -> (i32, i32) {
    %c0_i32 = arith.constant 0 : i32
    %c0_i32_0 = arith.constant 0 : i32
    return %arg0, %c0_i32 : i32, i32
  }
  func.func @transform_1(%arg0: i32) -> (i32, i32) {
    %c0_i32 = arith.constant 0 : i32
    %c0_i32_0 = arith.constant 0 : i32
    return %arg0, %c0_i32 : i32, i32
  }
  func.func @transform_2(%arg0: i32) -> (i32, i32) {
    %c0_i32 = arith.constant 0 : i32
    %c0_i32_0 = arith.constant 0 : i32
    return %arg0, %c0_i32 : i32, i32
  }
  func.func @transform_3(%arg0: i32) -> (i32, i32) {
    %c0_i32 = arith.constant 0 : i32
    %c0_i32_0 = arith.constant 0 : i32
    return %arg0, %c0_i32 : i32, i32
  }
  func.func @transform_4(%arg0: i32) -> (i32, i32) {
    %c0_i32 = arith.constant 0 : i32
    %c0_i32_0 = arith.constant 0 : i32
    return %arg0, %c0_i32 : i32, i32
  }
  func.func @transform_5(%arg0: i32) -> (i32, i32) {
    %c0_i32 = arith.constant 0 : i32
    %c0_i32_0 = arith.constant 0 : i32
    %c0_i32_1 = arith.constant 0 : i32
    return %c0_i32, %c0_i32_0 : i32, i32
  }
  func.func @transform_6(%arg0: i32) -> (i32, i32) {
    %c0_i32 = arith.constant 0 : i32
    %c0_i32_0 = arith.constant 0 : i32
    %c0_i32_1 = arith.constant 0 : i32
    return %c0_i32, %c0_i32_0 : i32, i32
  }
  func.func @transform_7(%arg0: i32) -> (i32, i32) {
    %c0_i32 = arith.constant 0 : i32
    %c0_i32_0 = arith.constant 0 : i32
    return %arg0, %c0_i32 : i32, i32
  }
}

module attributes {stable_mosaic.version = 14 : i64} {
  func.func @_tc_final_body(%arg0: i32, %arg1: memref<2000x128xf32, #tpu.memory_space<vmem>>, %arg2: memref<2000x128xf32, #tpu.memory_space<vmem>>, %arg3: memref<2000x128xf32, #tpu.memory_space<vmem>>, %arg4: memref<2000x128xf32, #tpu.memory_space<vmem>>, %arg5: memref<2000x128xf32, #tpu.memory_space<vmem>>, %arg6: memref<1x128xf32, #tpu.memory_space<vmem>>, %arg7: memref<2000x128xf32, #tpu.memory_space<vmem>>) attributes {dimension_semantics = [#tpu.dimension_semantics<arbitrary>], iteration_bounds = array<i64: 5>, scalar_prefetch = 0 : i64, scratch_operands = 0 : i64, tpu.core_type = #tpu.core_type<tc>, window_params = [{transform_indices = @transform_0, window_bounds = array<i64: 2000, 128>}, {transform_indices = @transform_1, window_bounds = array<i64: 2000, 128>}, {transform_indices = @transform_2, window_bounds = array<i64: 2000, 128>}, {transform_indices = @transform_3, window_bounds = array<i64: 2000, 128>}, {transform_indices = @transform_4, window_bounds = array<i64: 2000, 128>}, {pipeline_mode = #tpu.pipeline_mode<synchronous>, transform_indices = @transform_5, window_bounds = array<i64: 1, 128>}, {transform_indices = @transform_6, window_bounds = array<i64: 2000, 128>}]} {
    %get3A = arith.constant 0 : index
    %get3A_0 = arith.constant 0 : index
    %get3A_1 = vector.load %arg4[%get3A, %get3A_0] : memref<2000x128xf32, #tpu.memory_space<vmem>>, vector<2000x1xf32>
    %get3A_2 = arith.constant 0 : index
    %get3A_3 = arith.constant 0 : index
    %get3A_4 = vector.load %arg5[%get3A_2, %get3A_3] : memref<2000x128xf32, #tpu.memory_space<vmem>>, vector<2000x1xf32>
    %add3A = arith.addf %get3A_1, %get3A_4 : vector<2000x1xf32>
    %add3A_5 = arith.constant 1.000000e+00 : f32
    %add3A_6 = vector.broadcast %add3A_5 : f32 to vector<2000x1xf32>
    %add3A_7 = arith.addf %add3A, %add3A_6 : vector<2000x1xf32>
    %rsqrt3A = math.rsqrt %add3A_7 : vector<2000x1xf32>
    %get3A_8 = arith.constant 0 : index
    %get3A_9 = arith.constant 0 : index
    %get3A_10 = vector.load %arg1[%get3A_8, %get3A_9] : memref<2000x128xf32, #tpu.memory_space<vmem>>, vector<2000x128xf32>
    %get3A_11 = arith.constant 0 : index
    %get3A_12 = arith.constant 0 : index
    %get3A_13 = vector.load %arg2[%get3A_11, %get3A_12] : memref<2000x128xf32, #tpu.memory_space<vmem>>, vector<2000x128xf32>
    %add3A_14 = arith.addf %get3A_10, %get3A_13 : vector<2000x128xf32>
    %get3A_15 = arith.constant 0 : index
    %get3A_16 = arith.constant 0 : index
    %get3A_17 = vector.load %arg3[%get3A_15, %get3A_16] : memref<2000x128xf32, #tpu.memory_space<vmem>>, vector<2000x128xf32>
    %add3A_18 = arith.addf %add3A_14, %get3A_17 : vector<2000x128xf32>
    %mul3A = vector.broadcast %rsqrt3A : vector<2000x1xf32> to vector<2000x128xf32>
    %mul3A_19 = arith.mulf %add3A_18, %mul3A : vector<2000x128xf32>
    %get3A_20 = arith.constant 0 : index
    %get3A_21 = arith.constant 0 : index
    %get3A_22 = vector.load %arg6[%get3A_20, %get3A_21] : memref<1x128xf32, #tpu.memory_space<vmem>>, vector<1x128xf32>
    %add3A_23 = vector.broadcast %get3A_22 : vector<1x128xf32> to vector<2000x128xf32>
    %add3A_24 = arith.addf %mul3A_19, %add3A_23 : vector<2000x128xf32>
    %swap3A = arith.constant 0 : index
    %swap3A_25 = arith.constant 0 : index
    %swap3A_26 = vector.load %arg7[%swap3A, %swap3A_25] : memref<2000x128xf32, #tpu.memory_space<vmem>>, vector<2000x128xf32>
    tpu.vector_store %arg7[%swap3A, %swap3A_25], %add3A_24 {strides = array<i32>} : memref<2000x128xf32, #tpu.memory_space<vmem>>, vector<2000x128xf32>,
    return
  }
  func.func @transform_0(%arg0: i32) -> (i32, i32) {
    %c0_i32 = arith.constant 0 : i32
    %c0_i32_0 = arith.constant 0 : i32
    return %arg0, %c0_i32 : i32, i32
  }
  func.func @transform_1(%arg0: i32) -> (i32, i32) {
    %c0_i32 = arith.constant 0 : i32
    %c0_i32_0 = arith.constant 0 : i32
    return %arg0, %c0_i32 : i32, i32
  }
  func.func @transform_2(%arg0: i32) -> (i32, i32) {
    %c0_i32 = arith.constant 0 : i32
    %c0_i32_0 = arith.constant 0 : i32
    return %arg0, %c0_i32 : i32, i32
  }
  func.func @transform_3(%arg0: i32) -> (i32, i32) {
    %c0_i32 = arith.constant 0 : i32
    %c0_i32_0 = arith.constant 0 : i32
    return %arg0, %c0_i32 : i32, i32
  }
  func.func @transform_4(%arg0: i32) -> (i32, i32) {
    %c0_i32 = arith.constant 0 : i32
    %c0_i32_0 = arith.constant 0 : i32
    return %arg0, %c0_i32 : i32, i32
  }
  func.func @transform_5(%arg0: i32) -> (i32, i32) {
    %c0_i32 = arith.constant 0 : i32
    %c0_i32_0 = arith.constant 0 : i32
    %c0_i32_1 = arith.constant 0 : i32
    return %c0_i32, %c0_i32_0 : i32, i32
  }
  func.func @transform_6(%arg0: i32) -> (i32, i32) {
    %c0_i32 = arith.constant 0 : i32
    %c0_i32_0 = arith.constant 0 : i32
    return %arg0, %c0_i32 : i32, i32
  }
}

</mosaic_0001>

<sc_bundles>
// kernel: kernel.11.cloned.1.call-start
scs
__scs_entry_jumppad:
0x0: {  	(pc) =	sbr.rel $0x88, $3  }
0x1: {  	(tag) =	ssettag $0x0;
	lr =	simm.s32 $0x1  }
0x2: {  	[smem:$0x3F9B] =	sst lr;
	_ =	strace $0xD0000000  }
0x3: {  	_ = 	snop  }
0x4: {  	_ = 	snop  }
0x5: {  	_ = 	snop  }
0x6: {  	_ = 	snop  }
0x7: {  	_ = 	snop  }
__scs_overlays_trampoline_lowered:
0x8: {  	[smem:$0x3FAA] =	sst s0  }
0x9: {  	[smem:$0x3FAB] =	sst s1  }
0xa: {  	[smem:$0x3FAC] =	sst s2  }
0xb: {  	[smem:$0x3FAD] =	sst s3  }
0xc: {  	[smem:$0x3FAE] =	sst s4  }
0xd: {  	[smem:$0x3FAF] =	sst s5  }
0xe: {  	[smem:$0x3FB0] =	sst s6  }
0xf: {  	[smem:$0x3FB1] =	sst s7  }
0x10: {  	[smem:$0x3FB2] =	sst s8  }
0x11: {  	[smem:$0x3FB3] =	sst s9;
	s0 =	simm.s32 @!p0 $0x0  }
0x12: {  	s1 =	sld [smem:$0x3F99];
	s0 =	simm.s32 @p0 $0x1  }
0x13: {  	[smem:$0x3FB4] =	sst s0;
	s0 =	simm.s32 @!p1 $0x0  }
0x14: {  	s2 =	sld [smem:$0x3F98];
	s0 =	simm.s32 @p1 $0x1  }
0x15: {  	[smem:$0x3FB5] =	sst s0;
	s0 =	simm.s32 @!p2 $0x0  }
0x16: {  	s3 =	sld [smem:$0x3FDB];
	s0 =	simm.s32 @p2 $0x1  }
0x17: {  	s4 =	simm.s32 $0x1BF5;
	[smem:$0x3FB7] =	sst s0  }
0x18: {  	s0 =	sld [smem:$0x3F9A];
	_ =	swait.ge [sflag:s4], $0x0  }
0x19: {  	s7 =	sld [smem:$0x3F9B]  }
0x1a: {  	s8 =	sadd.s32 $0xFFFFE003, lr  }
0x1b: {  	s9 =	sadd.s32 $0xFFFFFEF7, lr;
	s5 =	simm.s32 $0xFFFFFFFF;
	p2 =	slt.u32 s8, $0xFFFFF086  }
0x1c: {  	p1 =	slt.u32 s9, $0xF7A;
	s5 =	simm.s32 @!p2 $0x0  }
0x1d: {  	s5 =	simm.s32 @p1 $0x1;
	p0 =	seq.s32 s7, s2  }
0x1e: {  	s7 =	smul.u32 @!p0 $0xF7A, s2;
	p2 =	seq.s32 @!p0 s5, $0x0  }
0x1f: {  	s9 =	smul.u32 $0xF7A, s1;
	s8 =	simm.s32 @!p0 $0x1BF5;
	p2 =	por !p2, p0  }
0x20: {  	[sflag:s8] =	ssyncset.s32 @!p0 $0xFFFFF086;
	s6 =	sadd.s32 @!p0 s3, s7;
	s7 =	simm.s32 @!p0 $0x108  }
0x21: {  	s3 =	sadd.s32 s3, s9;
	s6 =	sadd.s32 @!p0 $0x88, s6;
	s7 =	simm.s32 @p2 $0x1082  }
0x22: {  	[simem:s7], [sflag:s8] =	dma.local @!p0 [hbm:s6], $0xF7A  }
0x23: {  	s9 =	sor.u32 $0xD0000000, s2;
	s6 =	simm.s32 $0x108;
	_ =	swait.ge @!p0 [sflag:s8], $0x0  }
0x24: {  	s3 =	sadd.s32 $0x88, s3;
	s6 =	simm.s32 @!p1 $0x1082;
	[sflag:s4] =	ssyncset.s32 $0xFFFFF086  }
0x25: {  	[simem:s6], [sflag:s4] =	dma.local [hbm:s3], $0xF7A  }
0x26: {  	[smem:$0x3F9B] =	sst s1;
	(tag) =	ssettag s2;
	_ =	strace s9  }
0x27: {  	s1 =	sld [smem:$0x3FAB]  }
0x28: {  	s2 =	sld [smem:$0x3FAC]  }
0x29: {  	s4 =	sld [smem:$0x3FAE]  }
0x2a: {  	p0 =	seq.s32 s5, $0x0;
	s5 =	sld [smem:$0x3FAF]  }
0x2b: {  	s6 =	sld [smem:$0x3FB0]  }
0x2c: {  	s7 =	sld [smem:$0x3FB1]  }
0x2d: {  	s3 =	simm.s32 $0x108;
	s8 =	sld [smem:$0x3FB2]  }
0x2e: {  	s3 =	simm.s32 @!p0 $0x1082;
	s9 =	sld [smem:$0x3FB3]  }
0x2f: {  	lr =	sadd.s32 s0, s3;
	s0 =	sld [smem:$0x3FAA]  }
0x30: {  	s3 =	sld [smem:$0x3FAD]  }
0x31: {  	[smem:$0x3FB6] =	sst s10  }
0x32: {  	s10 =	sld [smem:$0x3FB4];
	_ =	sdelay $0x3  }
0x33: {  	p0 =	seq.s32 s10, $0x1;
	s10 =	sld [smem:$0x3FB6];
	_ =	sdelay $0x3  }
0x34: {  	[smem:$0x3FB6] =	sst s10  }
0x35: {  	s10 =	sld [smem:$0x3FB5];
	_ =	sdelay $0x3  }
0x36: {  	p1 =	seq.s32 s10, $0x1;
	s10 =	sld [smem:$0x3FB6];
	_ =	sdelay $0x3  }
0x37: {  	[smem:$0x3FB6] =	sst s10  }
0x38: {  	s10 =	sld [smem:$0x3FB7]  }
0x39: {  	_ = 	snop;
	(pc) =	sbr.ind lr, $3  }
0x3a: {  	_ = 	snop  }
0x3b: {  	_ = 	snop  }
0x3c: {  	p2 =	seq.s32 s10, $0x1;
	s10 =	sld [smem:$0x3FB6]  }
0x3d: {  	_ =	shalt  }
0x3e: {  	_ =	shalt  }
0x3f: {  	_ =	shalt  }
0x40: {  	_ =	shalt  }
0x41: {  	_ =	shalt  }
0x42: {  	_ =	shalt  }
0x43: {  	_ =	shalt  }
0x44: {  	_ =	shalt  }
0x45: {  	_ =	shalt  }
0x46: {  	_ =	shalt  }
0x47: {  	_ =	shalt  }
0x48: {  	_ =	shalt  }
0x49: {  	_ =	shalt  }
0x4a: {  	_ =	shalt  }
0x4b: {  	_ =	shalt  }
0x4c: {  	_ =	shalt  }
0x4d: {  	_ =	shalt  }
0x4e: {  	_ =	shalt  }
0x4f: {  	_ =	shalt  }
0x50: {  	_ =	shalt  }
0x51: {  	_ =	shalt  }
0x52: {  	_ =	shalt  }
0x53: {  	_ =	shalt  }
0x54: {  	_ =	shalt  }
0x55: {  	_ =	shalt  }
0x56: {  	_ =	shalt  }
0x57: {  	_ =	shalt  }
0x58: {  	_ =	shalt  }
0x59: {  	_ =	shalt  }
0x5a: {  	_ =	shalt  }
0x5b: {  	_ =	shalt  }
0x5c: {  	_ =	shalt  }
0x5d: {  	_ =	shalt  }
0x5e: {  	_ =	shalt  }
0x5f: {  	_ =	shalt  }
0x60: {  	_ =	shalt  }
0x61: {  	_ =	shalt  }
0x62: {  	_ =	shalt  }
0x63: {  	_ =	shalt  }
0x64: {  	_ =	shalt  }
0x65: {  	_ =	shalt  }
0x66: {  	_ =	shalt  }
0x67: {  	_ =	shalt  }
0x68: {  	_ =	shalt  }
0x69: {  	_ =	shalt  }
0x6a: {  	_ =	shalt  }
0x6b: {  	_ =	shalt  }
0x6c: {  	_ =	shalt  }
0x6d: {  	_ =	shalt  }
0x6e: {  	_ =	shalt  }
0x6f: {  	_ =	shalt  }
0x70: {  	_ =	shalt  }
0x71: {  	_ =	shalt  }
0x72: {  	_ =	shalt  }
0x73: {  	_ =	shalt  }
0x74: {  	_ =	shalt  }
0x75: {  	_ =	shalt  }
0x76: {  	_ =	shalt  }
0x77: {  	_ =	shalt  }
0x78: {  	_ =	shalt  }
0x79: {  	_ =	shalt  }
0x7a: {  	_ =	shalt  }
0x7b: {  	_ =	shalt  }
0x7c: {  	_ =	shalt  }
0x7d: {  	_ =	shalt  }
0x7e: {  	_ =	shalt  }
0x7f: {  	_ =	shalt  }
0x80: {  	_ =	shalt  }
0x81: {  	_ =	shalt  }
0x82: {  	_ =	shalt  }
0x83: {  	_ =	shalt  }
0x84: {  	_ =	shalt  }
0x85: {  	_ =	shalt  }
0x86: {  	_ =	shalt  }
0x87: {  	_ =	shalt  }
.Lfunc_end0:
.L_simem_size_0:
called_computation.1_lowered:
.L_overlay_start_0:
0x88: {  	s2 =	sld [smem:$0x3FD9]  }
0x89: {  	s3 =	sld [smem:$0x3FFE];
	_ =	sdelay $0x1  }
0x8a: {  	s1 =	srdreg.scid  }
0x8b: {  	s0 =	sand.u32 $0x1, s1  }
0x8c: {  	s17 =	sshll.u32 s0, $0xA;
	s2 =	sadd.s32 s3, s2  }
0x8d: {  	s2 =	sadd.s32 s2, s17  }
0x8e: {  	[smem:$0x3FC2] =	sst s2  }
0x8f: {  	_ = 	snop  }
0x90: {  	s2 =	sld [smem:$0x3FD0];
	(tm) =	ssettm $0x1  }
0x91: {  	s18 =	sld [smem:$0x3FFB];
	_ =	sdelay $0x3  }
0x92: {  	_ =	strace s18  }
0x93: {  	s3 =	sld [smem:$0x3FFC];
	_ =	sdelay $0x3  }
0x94: {  	_ =	strace s3  }
0x95: {  	s3 =	sld [smem:$0x3FFD];
	_ =	sdelay $0x3  }
0x96: {  	_ =	strace s3  }
0x97: {  	_ =	strace $0x8FFFFFFF  }
0x98: {  	s19 =	sld [smem:$0x3FDB];
	_ =	sdelay $0x1  }
0x99: {  	s4 =	simm.s32 $_scs_section_size  }
0x9a: {  	s5 =	simm.s32 $_size__tile_overlayer_lowered;
	s6 =	simm.s32 $_tile_overlayer_lowered  }
0x9b: {  	s22 =	simm.s32 $0x1BFF;
	s21 =	sshll.u32 s6, $0x1;
	s3 =	sadd.s32 s4, s19  }
0x9c: {  	s7 =	simm.s32 $0x0;
	s20 =	sshll.u32 s5, $0x1;
	s5 =	sadd.s32 s21, s3  }
0x9d: {  	[timem:s7], [sflag:s22] =	dma.local [hbm:s5], s20  }
0x9e: {  	_ =	swait.ge [sflag:s22], s20  }
0x9f: {  	s4 =	ssub.s32 $0x0, s20;
	[sflag:s22] =	ssyncset.done $0x0  }
0xa0: {  	[sflag:s22] =	ssyncadd.s32 s4;
	_ =	sdelay $0x1  }
0xa1: {  	s23 =	simm.s32 $0x1B8B  }
0xa2: {  	_ =	swait.ge [sflag:s23], $0x1  }
0xa3: {  	[sflag:s23] =	ssyncset.done $0x0  }
0xa4: {  	s25 =	simm.s32 $0x1B8E;
	s24 =	sld [smem:$0x3FFE];
	[sflag:s23] =	ssyncadd.s32 $0xFFFFFFFF  }
0xa5: {  	s26 =	simm.s32 $execute0_lowered;
	[smem:$0x3FD2] =	sst s25  }
0xa6: {  	s5 =	sshll.u32 s26, $0x1;
	_ =	strace $0x80000049;
	[dreg:$0x1] =	wrdreg $0xFFFFFFFF  }
0xa7: {  	s28 =	simm.s32 $_size_execute0_lowered;
	s3 =	sadd.s32 s3, s5;
	[dreg:$0x0] =	wrdreg $0x0  }
0xa8: {  	s5 =	sshll.u32 s28, $0x1;
	[dreg:$0x2] =	wrdreg s3  }
0xa9: {  	[dreg:$0x3] =	wrdreg s5  }
0xaa: {  	[dreg:$0x4] =	wrdreg $0xC0  }
0xab: {  	_ =	task [dreg:s7], $0x5FFFF  }
0xac: {  	[dreg:$0x1] =	wrdreg $0xFFFFFFFF  }
0xad: {  	[dreg:$0x0] =	wrdreg $0x60  }
0xae: {  	[dreg:$0x2] =	wrdreg s24  }
0xaf: {  	[dreg:$0x3] =	wrdreg s2  }
0xb0: {  	[dreg:$0x4] =	wrdreg $0x69000  }
0xb1: {  	[dreg:$0x5] =	wrdreg $0x9  }
0xb2: {  	_ =	task.clear_ibuf [dreg:s7], $0x6FFFF;
	_ =	strace $0x90000049  }
0xb3: {  	s29 =	simm.s32 $0x9;
	_ =	strace $0x8000004B  }
0xb4: {  	_ =	swait.ge [sflag:s29], $0x1  }
0xb5: {  	[sflag:s29] =	ssyncadd.s32 $0xFFFFFFFF  }
0xb6: {  	_ =	strace $0x9000004B  }
0xb7: {  	_ =	sfence  }
0xb8: {  	s30 =	sld [smem:$0x0];
	_ =	sdelay $0x2  }
0xb9: {  	s31 =	sshll.u32 s1, $0xD;
	s1 =	sshrl.u32 s1, $0x2  }
0xba: {  	s3 =	sand.u32 $0x4000, s31;
	s1 =	sadd.s32 s1, s30  }
0xbb: {  	s0 =	sor.u32 s3, s0;
	s1 =	sshll.u32 s1, $0x11  }
0xbc: {  	s0 =	sor.u32 s1, s0  }
0xbd: {  	s0 =	sadd.s32 $0x8F2B, s0  }
0xbe: {  	[sflag:s0] =	ssyncadd.remote.s32 $0x1  }
0xbf: {  	_ =	sfence.sel $0xFFFF  }
0xc0: {  	[dreg:$0x0] =	wrdreg $0xFFFFFFFF;
	(pc) =	sbr.abs _section_cstart, $3  }
0xc1: {  	[dreg:$0x1] =	wrdreg $0xFFFFFFFF  }
0xc2: {  	_ =	task.clear_ibuf [dreg:s7], $0x2FFFF;
	_ =	strace $0x9FFFFFFF  }
0xc3: {  	(tm) =	ssettm $0x7FFFFFFF  }
tec
execute0_lowered:
.L_overlay_start_1:
0x0: {  	(tag) =	ssettag $0x1  }
0x1: {  	s5 =	rddreg [dreg:$0x0]  }
0x2: {  	s2 =	rddreg [dreg:$0x1]  }
0x3: {  	s0 =	srdreg.scid;
	s3 =	rddreg [dreg:$0x2]  }
0x4: {  	s1 =	rddreg [dreg:$0x3];
	s4 =	simm.s32 $0x0;
	s14 =	simm.s32 $0x2900  }
0x5: {  	s15 =	simm.s32 $0x2;
	s16 =	simm.s32 $0x80;
	s6 =	sand.u32 $0x1, s0  }
0x6: {  	s17 =	simm.s32 $0x50;
	s0 =	stileid.u32;
	s7 =	smul.u32 $0x27100, s6  }
0x7: {  	s18 =	simm.s32 $0x100;
	s19 =	simm.s32 $0x1;
	s8 =	smul.u32 $0x2710, s0  }
0x8: {  	s21 =	simm.s32 $0x0;
	[smem:$0x7FF] =	sst s4;
	s9 =	smul.u32 $0x140000, s6  }
0x9: {  	s26 =	smul.u32 $0x14000, s0;
	_ =	strace $0x8000004A;
	s6 =	ssub.s32 $0x2, s6  }
0xa: {  	s28 =	smul.u32 $0x50000, s0;
	s20 =	sshll.u32 s0, $0x6;
	s30 =	sshrl.u32 s6, $0x1  }
0xb: {  	s20 =	sor.u32 $0x1C02, s20;
	s7 =	sadd.s32 s8, s7;
	s8 =	sadd.s32 s26, s9  }
0xc: {  	s31 =	sshrl.u32 s28, $0x2;
	s7 =	sshrl.u32 s7, $0x3;
	s29 =	sshrl.u32 s8, $0x3  }
0xd: {  	s8 =	ssub.s32 s6, s30;
	s13 =	sadd.s32 s7, s5;
	s7 =	sadd.s32 s29, s5  }
0xe: {  	s5 =	sadd.s32 s31, s3;
	s6 =	sadd.s32 $0x65400, s7;
	s7 =	smax.u32 s8, $0x1  }
0xf: {  	s8 =	sadd.s32 $0x4000, s5;
	s9 =	sadd.s32 $0x8000, s5;
	s10 =	sadd.s32 $0xC000, s5  }
0x10: {  	v0 =	vimm.f32 $0.0e+00;
	s11 =	sadd.s32 $0x10000, s5;
	s12 =	sadd.s32 $0x3400, s13;
	s13 =	sadd.s32 $0xD200, s13  }
.LBB2_1:
0x11: {  	s22 =	sand.u32 $0xFE00, s4  }
0x12: {  	s23 =	sand.u32 $0x70, s4;
	s24 =	sshrl.u32 s22, $0x2  }
0x13: {  	s22 =	simm.s32 $0x40;
	s24 =	sor.u32 s23, s24;
	s23 =	simm.s32 $0x0  }
.LBB2_2:
0x14: {  	p0 =	sne.s32 s22, $0xFFC0  }
0x15: {  	[tilespmem:s24+$0x2900] =	vst v0;
	s23 =	sadd.s32 $0x10, s23;
	s24 =	smov.u32 s22;
	s22 =	sadd.s32 $0x40, s22  }
.Ltmp0:
0x16: {  	(pc) =	sbr.rel @p0 .LBB2_2-.Ltmp0, $4  }
0x17: {  	_ = 	snop  }
0x18: {  	s24 =	sand.u32 $0xFE00, s24  }
0x19: {  	s25 =	sand.u32 $0x70, s23;
	s24 =	sshrl.u32 s24, $0x2  }
0x1a: {  	s24 =	sor.u32 s25, s24  }
0x1b: {  	[tilespmem:s24+$0x2900] =	vst v0  }
0x1c: {  	[spmem:s5] =	stream.linear.scatter [tilespmem:s14], [sflag:$0x2], $0x4000, $0x38;
	[tilespmem:$0x1A900] =	vst v63  }
0x1d: {  	_ =	swait.ge [sflag:s15], $0x4000  }
0x1e: {  	[sflag:s15] =	ssyncset.done $0x0  }
0x1f: {  	[sflag:s15] =	ssyncadd.s32 $0xFFFFC000  }
0x20: {  	[spmem:s8] =	stream.linear.scatter [tilespmem:s14], [sflag:$0x2], $0x4000, $0x38;
	[tilespmem:$0x1A900] =	vst v63  }
0x21: {  	_ =	swait.ge [sflag:s15], $0x4000  }
0x22: {  	[sflag:s15] =	ssyncset.done $0x0  }
0x23: {  	[sflag:s15] =	ssyncadd.s32 $0xFFFFC000  }
0x24: {  	[spmem:s9] =	stream.linear.scatter [tilespmem:s14], [sflag:$0x2], $0x4000, $0x38;
	[tilespmem:$0x1A900] =	vst v63  }
0x25: {  	_ =	swait.ge [sflag:s15], $0x4000  }
0x26: {  	[sflag:s15] =	ssyncset.done $0x0  }
0x27: {  	[sflag:s15] =	ssyncadd.s32 $0xFFFFC000  }
0x28: {  	[spmem:s10] =	stream.linear.scatter [tilespmem:s14], [sflag:$0x2], $0x4000, $0x38;
	[tilespmem:$0x1A900] =	vst v63  }
0x29: {  	_ =	swait.ge [sflag:s15], $0x4000  }
0x2a: {  	[sflag:s15] =	ssyncset.done $0x0  }
0x2b: {  	[sflag:s15] =	ssyncadd.s32 $0xFFFFC000  }
0x2c: {  	[spmem:s11] =	stream.linear.scatter [tilespmem:s14], [sflag:$0x2], $0x4000, $0x38;
	[tilespmem:$0x1A900] =	vst v63  }
0x2d: {  	_ =	swait.ge [sflag:s15], $0x4000  }
0x2e: {  	[sflag:s15] =	ssyncset.done $0x0  }
0x2f: {  	[sflag:s15] =	ssyncadd.s32 $0xFFFFC000  }
0x30: {  	s22 =	sadd.s32 $0x0, s13;
	[bflag:$0x0] =	sbarrier.arrive $0xFFFF  }
0x31: {  	[tilespmem:s4], [sflag:$0x2] =	stream.linear.gather [hbm4b:s22+s4], $0x50, $0x38;
	[tilespmem:$0x1A900] =	vst v63  }
0x32: {  	_ =	swait.ge [sflag:s15], $0x50  }
0x33: {  	[sflag:s15] =	ssyncset.done $0x0  }
0x34: {  	s31 =	sadd.s32 $0x0, s12;
	[sflag:s15] =	ssyncadd.s32 $0xFFFFFFB0  }
0x35: {  	[tilespmem:s16], [sflag:$0x2] =	stream.linear.gather [hbm4b:s31+s4], $0x50, $0x38;
	[tilespmem:$0x1A900] =	vst v63  }
0x36: {  	_ =	swait.ge [sflag:s15], $0x50  }
0x37: {  	[sflag:s15] =	ssyncset.done $0x0  }
0x38: {  	[sflag:s15] =	ssyncadd.s32 $0xFFFFFFB0  }
0x39: {  	[tilespmem:s18], [sflag:$0x1] =	stream.indirect.gather [hbm4b:s2+s17], $0x80, s4, s17, $0xb8;
	[tilespmem:$0x1A900] =	vst v63  }
0x3a: {  	_ =	swait.ge [sflag:s19], $0x2800  }
0x3b: {  	[sflag:s19] =	ssyncset.done $0x0  }
0x3c: {  	[sflag:s19] =	ssyncadd.s32 $0xFFFFD800  }
0x3d: {  	[spmem:s3] =	stream.indirect.scatter.add.f32 [tilespmem:s18], [sflag:$0x2], $0x80, s16, s17, $0xb8;
	[tilespmem:$0x1A900] =	vst v63  }
0x3e: {  	_ =	swait.ge [sflag:s15], $0x2800  }
0x3f: {  	s23 =	simm.s32 $0x14;
	s22 =	simm.s32 $0xA;
	[sflag:s15] =	ssyncset.done $0x0  }
.LBB2_4:
0x40: {  	s24 =	sadd.s32 s22, s13  }
0x41: {  	[sflag:s15] =	ssyncadd.s32 $0xFFFFD800;
	s25 =	smov.u32 s23;
	s26 =	sadd.s32 $0xA, s23  }
0x42: {  	[tilespmem:s4], [sflag:$0x2] =	stream.linear.gather [hbm4b:s24+s4], $0x50, $0x38;
	[tilespmem:$0x1A900] =	vst v63  }
0x43: {  	p0 =	sne.s32 s23, $0x4D8;
	_ =	swait.ge [sflag:s15], $0x50  }
0x44: {  	[sflag:s15] =	ssyncset.done $0x0  }
0x45: {  	s23 =	sadd.s32 s22, s12;
	s22 =	smov.u32 s25;
	[sflag:s15] =	ssyncadd.s32 $0xFFFFFFB0  }
0x46: {  	[tilespmem:s16], [sflag:$0x2] =	stream.linear.gather [hbm4b:s23+s4], $0x50, $0x38;
	[tilespmem:$0x1A900] =	vst v63  }
0x47: {  	_ =	swait.ge [sflag:s15], $0x50  }
0x48: {  	[sflag:s15] =	ssyncset.done $0x0  }
0x49: {  	[sflag:s15] =	ssyncadd.s32 $0xFFFFFFB0  }
0x4a: {  	[tilespmem:s18], [sflag:$0x1] =	stream.indirect.gather [hbm4b:s2+s17], $0x80, s4, s17, $0xb8;
	[tilespmem:$0x1A900] =	vst v63  }
0x4b: {  	_ =	swait.ge [sflag:s19], $0x2800  }
.Ltmp1:
0x4c: {  	[sflag:s19] =	ssyncset.done $0x0;
	(pc) =	sbr.rel @p0 .LBB2_4-.Ltmp1, $4  }
0x4d: {  	[sflag:s19] =	ssyncadd.s32 $0xFFFFD800  }
0x4e: {  	[spmem:s3] =	stream.indirect.scatter.add.f32 [tilespmem:s18], [sflag:$0x2], $0x80, s16, s17, $0xb8;
	[tilespmem:$0x1A900] =	vst v63  }
0x4f: {  	_ =	swait.ge [sflag:s15], $0x2800  }
0x50: {  	s23 =	smov.u32 s26;
	[sflag:s15] =	ssyncset.done $0x0  }
0x51: {  	s23 =	sadd.s32 s22, s13;
	[sflag:s15] =	ssyncadd.s32 $0xFFFFD800  }
0x52: {  	[tilespmem:s4], [sflag:$0x2] =	stream.linear.gather [hbm4b:s23+s4], $0x50, $0x38;
	[tilespmem:$0x1A900] =	vst v63  }
0x53: {  	_ =	swait.ge [sflag:s15], $0x50  }
0x54: {  	[sflag:s15] =	ssyncset.done $0x0  }
0x55: {  	s30 =	sadd.s32 s22, s12;
	[sflag:s15] =	ssyncadd.s32 $0xFFFFFFB0  }
0x56: {  	[tilespmem:s16], [sflag:$0x2] =	stream.linear.gather [hbm4b:s30+s4], $0x50, $0x38;
	[tilespmem:$0x1A900] =	vst v63  }
0x57: {  	_ =	swait.ge [sflag:s15], $0x50  }
0x58: {  	[sflag:s15] =	ssyncset.done $0x0  }
0x59: {  	[sflag:s15] =	ssyncadd.s32 $0xFFFFFFB0  }
0x5a: {  	[tilespmem:s18], [sflag:$0x1] =	stream.indirect.gather [hbm4b:s2+s17], $0x80, s4, s17, $0xb8;
	[tilespmem:$0x1A900] =	vst v63  }
0x5b: {  	_ =	swait.ge [sflag:s19], $0x2800  }
0x5c: {  	[sflag:s19] =	ssyncset.done $0x0  }
0x5d: {  	[sflag:s19] =	ssyncadd.s32 $0xFFFFD800  }
0x5e: {  	[spmem:s3] =	stream.indirect.scatter.add.f32 [tilespmem:s18], [sflag:$0x2], $0x80, s16, s17, $0xb8;
	[tilespmem:$0x1A900] =	vst v63  }
0x5f: {  	_ =	swait.ge [sflag:s15], $0x2800  }
0x60: {  	s21 =	sadd.s32 $0x1, s21;
	[sflag:s15] =	ssyncset.done $0x0  }
0x61: {  	p0 =	sne.s32 s21, s7;
	[sflag:s15] =	ssyncadd.s32 $0xFFFFD800  }
.Ltmp2:
0x62: {  	s31 =	sshrl.u32 s5, $0x3;
	[bflag:$0x0] =	sbarrier.arrive $0xFFFF;
	(pc) =	sbr.rel @p0 .LBB2_1-.Ltmp2, $4  }
0x63: {  	[hbm:s6], [sflag:s20] =	dma.local [spmem:s31], $0x2800  }
0x64: {  	_ =	swait.ge [sflag:s15], $0x2800  }
0x65: {  	[sflag:s15] =	ssyncset.done $0x0  }
0x66: {  	[sflag:s15] =	ssyncadd.s32 $0xFFFFD800  }
0x67: {  	_ =	sfence.sel $0x180000  }
0x68: {  	[bflag:$0x0] =	sbarrier.arrive $0xFFFF  }
0x69: {  	p0 =	sne.s32 s0, $0x0;
	_ =	strace $0x9000004A  }
0x6a: {  	s0 =	sadd.s32 @!p0 $0x100000, s1;
	[bflag:$0x2] =	sbarrier.arrive $0xFFFF  }
0x6b: {  	[sflag:s0] =	ssyncadd.tile.s32 @!p0 $0x1;
	_ =	shalt  }
.Lfunc_end2:
_tile_overlayer_lowered:
.L_overlay_start_2:
0x6c: {  	(tag) =	ssettag $0x2  }
0x6d: {  	s0 =	rddreg [dreg:$0x0];
	s2 =	stileid.u32  }
0x6e: {  	s1 =	rddreg [dreg:$0x1];
	p0 =	sne.s32 s2, $0x0  }
0x6f: {  	s3 =	rddreg [dreg:$0x2];
	[bflag:$0x3] =	sbarrier.arrive $0xFFFF;
	s2 =	simm.s32 @!p0 $0x1C02  }
0x70: {  	[timem:s3], [sflag:s2] =	dma.local @!p0 [hbm:s0], s1  }
0x71: {  	s0 =	simm.s32 @!p0 $0x2  }
0x72: {  	_ =	swait.ge @!p0 [sflag:s0], s1  }
0x73: {  	s1 =	ssub.s32 @!p0 $0x0, s1;
	[sflag:s0] =	ssyncset.done @!p0 $0x0  }
0x74: {  	[sflag:s0] =	ssyncadd.s32 @!p0 s1  }
0x75: {  	[bflag:$0x3] =	sbarrier.arrive $0xFFFF  }
0x76: {  	_ =	shalt  }

// kernel: kernel.14.cloned.1.call-start
scs
__scs_entry_jumppad:
0x0: {  	(pc) =	sbr.rel $0x88, $3  }
0x1: {  	(tag) =	ssettag $0x0;
	lr =	simm.s32 $0x1  }
0x2: {  	[smem:$0x3F9B] =	sst lr;
	_ =	strace $0xD0000000  }
0x3: {  	_ = 	snop  }
0x4: {  	_ = 	snop  }
0x5: {  	_ = 	snop  }
0x6: {  	_ = 	snop  }
0x7: {  	_ = 	snop  }
__scs_overlays_trampoline_lowered:
0x8: {  	[smem:$0x3FAA] =	sst s0  }
0x9: {  	[smem:$0x3FAB] =	sst s1  }
0xa: {  	[smem:$0x3FAC] =	sst s2  }
0xb: {  	[smem:$0x3FAD] =	sst s3  }
0xc: {  	[smem:$0x3FAE] =	sst s4  }
0xd: {  	[smem:$0x3FAF] =	sst s5  }
0xe: {  	[smem:$0x3FB0] =	sst s6  }
0xf: {  	[smem:$0x3FB1] =	sst s7  }
0x10: {  	[smem:$0x3FB2] =	sst s8  }
0x11: {  	[smem:$0x3FB3] =	sst s9;
	s0 =	simm.s32 @!p0 $0x0  }
0x12: {  	s1 =	sld [smem:$0x3F99];
	s0 =	simm.s32 @p0 $0x1  }
0x13: {  	[smem:$0x3FB4] =	sst s0;
	s0 =	simm.s32 @!p1 $0x0  }
0x14: {  	s2 =	sld [smem:$0x3F98];
	s0 =	simm.s32 @p1 $0x1  }
0x15: {  	[smem:$0x3FB5] =	sst s0;
	s0 =	simm.s32 @!p2 $0x0  }
0x16: {  	s3 =	sld [smem:$0x3FDB];
	s0 =	simm.s32 @p2 $0x1  }
0x17: {  	s4 =	simm.s32 $0x1BF5;
	[smem:$0x3FB7] =	sst s0  }
0x18: {  	s0 =	sld [smem:$0x3F9A];
	_ =	swait.ge [sflag:s4], $0x0  }
0x19: {  	s7 =	sld [smem:$0x3F9B]  }
0x1a: {  	s8 =	sadd.s32 $0xFFFFE003, lr  }
0x1b: {  	s9 =	sadd.s32 $0xFFFFFEF7, lr;
	s5 =	simm.s32 $0xFFFFFFFF;
	p2 =	slt.u32 s8, $0xFFFFF086  }
0x1c: {  	p1 =	slt.u32 s9, $0xF7A;
	s5 =	simm.s32 @!p2 $0x0  }
0x1d: {  	s5 =	simm.s32 @p1 $0x1;
	p0 =	seq.s32 s7, s2  }
0x1e: {  	s7 =	smul.u32 @!p0 $0xF7A, s2;
	p2 =	seq.s32 @!p0 s5, $0x0  }
0x1f: {  	s9 =	smul.u32 $0xF7A, s1;
	s8 =	simm.s32 @!p0 $0x1BF5;
	p2 =	por !p2, p0  }
0x20: {  	[sflag:s8] =	ssyncset.s32 @!p0 $0xFFFFF086;
	s6 =	sadd.s32 @!p0 s3, s7;
	s7 =	simm.s32 @!p0 $0x108  }
0x21: {  	s3 =	sadd.s32 s3, s9;
	s6 =	sadd.s32 @!p0 $0x88, s6;
	s7 =	simm.s32 @p2 $0x1082  }
0x22: {  	[simem:s7], [sflag:s8] =	dma.local @!p0 [hbm:s6], $0xF7A  }
0x23: {  	s9 =	sor.u32 $0xD0000000, s2;
	s6 =	simm.s32 $0x108;
	_ =	swait.ge @!p0 [sflag:s8], $0x0  }
0x24: {  	s3 =	sadd.s32 $0x88, s3;
	s6 =	simm.s32 @!p1 $0x1082;
	[sflag:s4] =	ssyncset.s32 $0xFFFFF086  }
0x25: {  	[simem:s6], [sflag:s4] =	dma.local [hbm:s3], $0xF7A  }
0x26: {  	[smem:$0x3F9B] =	sst s1;
	(tag) =	ssettag s2;
	_ =	strace s9  }
0x27: {  	s1 =	sld [smem:$0x3FAB]  }
0x28: {  	s2 =	sld [smem:$0x3FAC]  }
0x29: {  	s4 =	sld [smem:$0x3FAE]  }
0x2a: {  	p0 =	seq.s32 s5, $0x0;
	s5 =	sld [smem:$0x3FAF]  }
0x2b: {  	s6 =	sld [smem:$0x3FB0]  }
0x2c: {  	s7 =	sld [smem:$0x3FB1]  }
0x2d: {  	s3 =	simm.s32 $0x108;
	s8 =	sld [smem:$0x3FB2]  }
0x2e: {  	s3 =	simm.s32 @!p0 $0x1082;
	s9 =	sld [smem:$0x3FB3]  }
0x2f: {  	lr =	sadd.s32 s0, s3;
	s0 =	sld [smem:$0x3FAA]  }
0x30: {  	s3 =	sld [smem:$0x3FAD]  }
0x31: {  	[smem:$0x3FB6] =	sst s10  }
0x32: {  	s10 =	sld [smem:$0x3FB4];
	_ =	sdelay $0x3  }
0x33: {  	p0 =	seq.s32 s10, $0x1;
	s10 =	sld [smem:$0x3FB6];
	_ =	sdelay $0x3  }
0x34: {  	[smem:$0x3FB6] =	sst s10  }
0x35: {  	s10 =	sld [smem:$0x3FB5];
	_ =	sdelay $0x3  }
0x36: {  	p1 =	seq.s32 s10, $0x1;
	s10 =	sld [smem:$0x3FB6];
	_ =	sdelay $0x3  }
0x37: {  	[smem:$0x3FB6] =	sst s10  }
0x38: {  	s10 =	sld [smem:$0x3FB7]  }
0x39: {  	_ = 	snop;
	(pc) =	sbr.ind lr, $3  }
0x3a: {  	_ = 	snop  }
0x3b: {  	_ = 	snop  }
0x3c: {  	p2 =	seq.s32 s10, $0x1;
	s10 =	sld [smem:$0x3FB6]  }
0x3d: {  	_ =	shalt  }
0x3e: {  	_ =	shalt  }
0x3f: {  	_ =	shalt  }
0x40: {  	_ =	shalt  }
0x41: {  	_ =	shalt  }
0x42: {  	_ =	shalt  }
0x43: {  	_ =	shalt  }
0x44: {  	_ =	shalt  }
0x45: {  	_ =	shalt  }
0x46: {  	_ =	shalt  }
0x47: {  	_ =	shalt  }
0x48: {  	_ =	shalt  }
0x49: {  	_ =	shalt  }
0x4a: {  	_ =	shalt  }
0x4b: {  	_ =	shalt  }
0x4c: {  	_ =	shalt  }
0x4d: {  	_ =	shalt  }
0x4e: {  	_ =	shalt  }
0x4f: {  	_ =	shalt  }
0x50: {  	_ =	shalt  }
0x51: {  	_ =	shalt  }
0x52: {  	_ =	shalt  }
0x53: {  	_ =	shalt  }
0x54: {  	_ =	shalt  }
0x55: {  	_ =	shalt  }
0x56: {  	_ =	shalt  }
0x57: {  	_ =	shalt  }
0x58: {  	_ =	shalt  }
0x59: {  	_ =	shalt  }
0x5a: {  	_ =	shalt  }
0x5b: {  	_ =	shalt  }
0x5c: {  	_ =	shalt  }
0x5d: {  	_ =	shalt  }
0x5e: {  	_ =	shalt  }
0x5f: {  	_ =	shalt  }
0x60: {  	_ =	shalt  }
0x61: {  	_ =	shalt  }
0x62: {  	_ =	shalt  }
0x63: {  	_ =	shalt  }
0x64: {  	_ =	shalt  }
0x65: {  	_ =	shalt  }
0x66: {  	_ =	shalt  }
0x67: {  	_ =	shalt  }
0x68: {  	_ =	shalt  }
0x69: {  	_ =	shalt  }
0x6a: {  	_ =	shalt  }
0x6b: {  	_ =	shalt  }
0x6c: {  	_ =	shalt  }
0x6d: {  	_ =	shalt  }
0x6e: {  	_ =	shalt  }
0x6f: {  	_ =	shalt  }
0x70: {  	_ =	shalt  }
0x71: {  	_ =	shalt  }
0x72: {  	_ =	shalt  }
0x73: {  	_ =	shalt  }
0x74: {  	_ =	shalt  }
0x75: {  	_ =	shalt  }
0x76: {  	_ =	shalt  }
0x77: {  	_ =	shalt  }
0x78: {  	_ =	shalt  }
0x79: {  	_ =	shalt  }
0x7a: {  	_ =	shalt  }
0x7b: {  	_ =	shalt  }
0x7c: {  	_ =	shalt  }
0x7d: {  	_ =	shalt  }
0x7e: {  	_ =	shalt  }
0x7f: {  	_ =	shalt  }
0x80: {  	_ =	shalt  }
0x81: {  	_ =	shalt  }
0x82: {  	_ =	shalt  }
0x83: {  	_ =	shalt  }
0x84: {  	_ =	shalt  }
0x85: {  	_ =	shalt  }
0x86: {  	_ =	shalt  }
0x87: {  	_ =	shalt  }
.Lfunc_end0:
.L_simem_size_0:
called_computation.2_lowered:
.L_overlay_start_0:
0x88: {  	s2 =	sld [smem:$0x3FD9]  }
0x89: {  	s3 =	sld [smem:$0x3FFE];
	_ =	sdelay $0x1  }
0x8a: {  	s1 =	srdreg.scid  }
0x8b: {  	s0 =	sand.u32 $0x1, s1  }
0x8c: {  	s17 =	sshll.u32 s0, $0xA;
	s2 =	sadd.s32 s3, s2  }
0x8d: {  	s2 =	sadd.s32 s2, s17  }
0x8e: {  	[smem:$0x3FC2] =	sst s2  }
0x8f: {  	_ = 	snop  }
0x90: {  	s2 =	sld [smem:$0x3FD0];
	(tm) =	ssettm $0x1  }
0x91: {  	s18 =	sld [smem:$0x3FFB];
	_ =	sdelay $0x3  }
0x92: {  	_ =	strace s18  }
0x93: {  	s3 =	sld [smem:$0x3FFC];
	_ =	sdelay $0x3  }
0x94: {  	_ =	strace s3  }
0x95: {  	s3 =	sld [smem:$0x3FFD];
	_ =	sdelay $0x3  }
0x96: {  	_ =	strace s3  }
0x97: {  	_ =	strace $0x8FFFFFFF  }
0x98: {  	s19 =	sld [smem:$0x3FDB];
	_ =	sdelay $0x1  }
0x99: {  	s4 =	simm.s32 $_scs_section_size  }
0x9a: {  	s5 =	simm.s32 $_size__tile_overlayer_lowered;
	s6 =	simm.s32 $_tile_overlayer_lowered  }
0x9b: {  	s22 =	simm.s32 $0x1BFF;
	s21 =	sshll.u32 s6, $0x1;
	s3 =	sadd.s32 s4, s19  }
0x9c: {  	s7 =	simm.s32 $0x0;
	s20 =	sshll.u32 s5, $0x1;
	s5 =	sadd.s32 s21, s3  }
0x9d: {  	[timem:s7], [sflag:s22] =	dma.local [hbm:s5], s20  }
0x9e: {  	_ =	swait.ge [sflag:s22], s20  }
0x9f: {  	s4 =	ssub.s32 $0x0, s20;
	[sflag:s22] =	ssyncset.done $0x0  }
0xa0: {  	[sflag:s22] =	ssyncadd.s32 s4;
	_ =	sdelay $0x1  }
0xa1: {  	s23 =	simm.s32 $0x1B8B  }
0xa2: {  	_ =	swait.ge [sflag:s23], $0x1  }
0xa3: {  	[sflag:s23] =	ssyncset.done $0x0  }
0xa4: {  	s25 =	simm.s32 $0x1B8E;
	s24 =	sld [smem:$0x3FFE];
	[sflag:s23] =	ssyncadd.s32 $0xFFFFFFFF  }
0xa5: {  	s26 =	simm.s32 $execute0_lowered;
	[smem:$0x3FD2] =	sst s25  }
0xa6: {  	s5 =	sshll.u32 s26, $0x1;
	_ =	strace $0x8000004C;
	[dreg:$0x1] =	wrdreg $0xFFFFFFFF  }
0xa7: {  	s28 =	simm.s32 $_size_execute0_lowered;
	s3 =	sadd.s32 s3, s5;
	[dreg:$0x0] =	wrdreg $0x0  }
0xa8: {  	s5 =	sshll.u32 s28, $0x1;
	[dreg:$0x2] =	wrdreg s3  }
0xa9: {  	[dreg:$0x3] =	wrdreg s5  }
0xaa: {  	[dreg:$0x4] =	wrdreg $0xC0  }
0xab: {  	_ =	task [dreg:s7], $0x5FFFF  }
0xac: {  	[dreg:$0x1] =	wrdreg $0xFFFFFFFF  }
0xad: {  	[dreg:$0x0] =	wrdreg $0x60  }
0xae: {  	[dreg:$0x2] =	wrdreg s24  }
0xaf: {  	[dreg:$0x3] =	wrdreg s2  }
0xb0: {  	[dreg:$0x4] =	wrdreg $0x69000  }
0xb1: {  	[dreg:$0x5] =	wrdreg $0x9  }
0xb2: {  	_ =	task.clear_ibuf [dreg:s7], $0x6FFFF;
	_ =	strace $0x9000004C  }
0xb3: {  	s29 =	simm.s32 $0x9;
	_ =	strace $0x8000004E  }
0xb4: {  	_ =	swait.ge [sflag:s29], $0x1  }
0xb5: {  	[sflag:s29] =	ssyncadd.s32 $0xFFFFFFFF  }
0xb6: {  	_ =	strace $0x9000004E  }
0xb7: {  	_ =	sfence  }
0xb8: {  	s30 =	sld [smem:$0x0];
	_ =	sdelay $0x2  }
0xb9: {  	s31 =	sshll.u32 s1, $0xD;
	s1 =	sshrl.u32 s1, $0x2  }
0xba: {  	s3 =	sand.u32 $0x4000, s31;
	s1 =	sadd.s32 s1, s30  }
0xbb: {  	s0 =	sor.u32 s3, s0;
	s1 =	sshll.u32 s1, $0x11  }
0xbc: {  	s0 =	sor.u32 s1, s0  }
0xbd: {  	s0 =	sadd.s32 $0x8F2B, s0  }
0xbe: {  	[sflag:s0] =	ssyncadd.remote.s32 $0x1  }
0xbf: {  	_ =	sfence.sel $0xFFFF  }
0xc0: {  	[dreg:$0x0] =	wrdreg $0xFFFFFFFF;
	(pc) =	sbr.abs _section_cstart, $3  }
0xc1: {  	[dreg:$0x1] =	wrdreg $0xFFFFFFFF  }
0xc2: {  	_ =	task.clear_ibuf [dreg:s7], $0x2FFFF;
	_ =	strace $0x9FFFFFFF  }
0xc3: {  	(tm) =	ssettm $0x7FFFFFFF  }
tec
execute0_lowered:
.L_overlay_start_1:
0x0: {  	(tag) =	ssettag $0x1  }
0x1: {  	s5 =	rddreg [dreg:$0x0]  }
0x2: {  	s2 =	rddreg [dreg:$0x1]  }
0x3: {  	s0 =	srdreg.scid;
	s3 =	rddreg [dreg:$0x2]  }
0x4: {  	s1 =	rddreg [dreg:$0x3];
	s4 =	simm.s32 $0x0;
	s14 =	simm.s32 $0x2900  }
0x5: {  	s15 =	simm.s32 $0x2;
	s16 =	simm.s32 $0x80;
	s6 =	sand.u32 $0x1, s0  }
0x6: {  	s17 =	simm.s32 $0x50;
	s0 =	stileid.u32;
	s7 =	smul.u32 $0x27100, s6  }
0x7: {  	s18 =	simm.s32 $0x100;
	s19 =	simm.s32 $0x1;
	s8 =	smul.u32 $0x2710, s0  }
0x8: {  	s21 =	simm.s32 $0x0;
	[smem:$0x7FF] =	sst s4;
	s9 =	smul.u32 $0x140000, s6  }
0x9: {  	s26 =	smul.u32 $0x14000, s0;
	_ =	strace $0x8000004D;
	s6 =	ssub.s32 $0x2, s6  }
0xa: {  	s28 =	smul.u32 $0x50000, s0;
	s20 =	sshll.u32 s0, $0x6;
	s30 =	sshrl.u32 s6, $0x1  }
0xb: {  	s20 =	sor.u32 $0x1C02, s20;
	s7 =	sadd.s32 s8, s7;
	s8 =	sadd.s32 s26, s9  }
0xc: {  	s31 =	sshrl.u32 s28, $0x2;
	s7 =	sshrl.u32 s7, $0x3;
	s29 =	sshrl.u32 s8, $0x3  }
0xd: {  	s8 =	ssub.s32 s6, s30;
	s13 =	sadd.s32 s7, s5;
	s7 =	sadd.s32 s29, s5  }
0xe: {  	s5 =	sadd.s32 s31, s3;
	s6 =	sadd.s32 $0x65400, s7;
	s7 =	smax.u32 s8, $0x1  }
0xf: {  	s8 =	sadd.s32 $0x4000, s5;
	s9 =	sadd.s32 $0x8000, s5;
	s10 =	sadd.s32 $0xC000, s5  }
0x10: {  	v0 =	vimm.f32 $0.0e+00;
	s11 =	sadd.s32 $0x10000, s5;
	s12 =	sadd.s32 $0x3400, s13;
	s13 =	sadd.s32 $0xD200, s13  }
.LBB2_1:
0x11: {  	s22 =	sand.u32 $0xFE00, s4  }
0x12: {  	s23 =	sand.u32 $0x70, s4;
	s24 =	sshrl.u32 s22, $0x2  }
0x13: {  	s22 =	simm.s32 $0x40;
	s24 =	sor.u32 s23, s24;
	s23 =	simm.s32 $0x0  }
.LBB2_2:
0x14: {  	p0 =	sne.s32 s22, $0xFFC0  }
0x15: {  	[tilespmem:s24+$0x2900] =	vst v0;
	s23 =	sadd.s32 $0x10, s23;
	s24 =	smov.u32 s22;
	s22 =	sadd.s32 $0x40, s22  }
.Ltmp0:
0x16: {  	(pc) =	sbr.rel @p0 .LBB2_2-.Ltmp0, $4  }
0x17: {  	_ = 	snop  }
0x18: {  	s24 =	sand.u32 $0xFE00, s24  }
0x19: {  	s25 =	sand.u32 $0x70, s23;
	s24 =	sshrl.u32 s24, $0x2  }
0x1a: {  	s24 =	sor.u32 s25, s24  }
0x1b: {  	[tilespmem:s24+$0x2900] =	vst v0  }
0x1c: {  	[spmem:s5] =	stream.linear.scatter [tilespmem:s14], [sflag:$0x2], $0x4000, $0x38;
	[tilespmem:$0x1A900] =	vst v63  }
0x1d: {  	_ =	swait.ge [sflag:s15], $0x4000  }
0x1e: {  	[sflag:s15] =	ssyncset.done $0x0  }
0x1f: {  	[sflag:s15] =	ssyncadd.s32 $0xFFFFC000  }
0x20: {  	[spmem:s8] =	stream.linear.scatter [tilespmem:s14], [sflag:$0x2], $0x4000, $0x38;
	[tilespmem:$0x1A900] =	vst v63  }
0x21: {  	_ =	swait.ge [sflag:s15], $0x4000  }
0x22: {  	[sflag:s15] =	ssyncset.done $0x0  }
0x23: {  	[sflag:s15] =	ssyncadd.s32 $0xFFFFC000  }
0x24: {  	[spmem:s9] =	stream.linear.scatter [tilespmem:s14], [sflag:$0x2], $0x4000, $0x38;
	[tilespmem:$0x1A900] =	vst v63  }
0x25: {  	_ =	swait.ge [sflag:s15], $0x4000  }
0x26: {  	[sflag:s15] =	ssyncset.done $0x0  }
0x27: {  	[sflag:s15] =	ssyncadd.s32 $0xFFFFC000  }
0x28: {  	[spmem:s10] =	stream.linear.scatter [tilespmem:s14], [sflag:$0x2], $0x4000, $0x38;
	[tilespmem:$0x1A900] =	vst v63  }
0x29: {  	_ =	swait.ge [sflag:s15], $0x4000  }
0x2a: {  	[sflag:s15] =	ssyncset.done $0x0  }
0x2b: {  	[sflag:s15] =	ssyncadd.s32 $0xFFFFC000  }
0x2c: {  	[spmem:s11] =	stream.linear.scatter [tilespmem:s14], [sflag:$0x2], $0x4000, $0x38;
	[tilespmem:$0x1A900] =	vst v63  }
0x2d: {  	_ =	swait.ge [sflag:s15], $0x4000  }
0x2e: {  	[sflag:s15] =	ssyncset.done $0x0  }
0x2f: {  	[sflag:s15] =	ssyncadd.s32 $0xFFFFC000  }
0x30: {  	s22 =	sadd.s32 $0x0, s13;
	[bflag:$0x0] =	sbarrier.arrive $0xFFFF  }
0x31: {  	[tilespmem:s4], [sflag:$0x2] =	stream.linear.gather [hbm4b:s22+s4], $0x50, $0x38;
	[tilespmem:$0x1A900] =	vst v63  }
0x32: {  	_ =	swait.ge [sflag:s15], $0x50  }
0x33: {  	[sflag:s15] =	ssyncset.done $0x0  }
0x34: {  	s31 =	sadd.s32 $0x0, s12;
	[sflag:s15] =	ssyncadd.s32 $0xFFFFFFB0  }
0x35: {  	[tilespmem:s16], [sflag:$0x2] =	stream.linear.gather [hbm4b:s31+s4], $0x50, $0x38;
	[tilespmem:$0x1A900] =	vst v63  }
0x36: {  	_ =	swait.ge [sflag:s15], $0x50  }
0x37: {  	[sflag:s15] =	ssyncset.done $0x0  }
0x38: {  	[sflag:s15] =	ssyncadd.s32 $0xFFFFFFB0  }
0x39: {  	[tilespmem:s18], [sflag:$0x1] =	stream.indirect.gather [hbm4b:s2+s17], $0x80, s4, s17, $0xb8;
	[tilespmem:$0x1A900] =	vst v63  }
0x3a: {  	_ =	swait.ge [sflag:s19], $0x2800  }
0x3b: {  	[sflag:s19] =	ssyncset.done $0x0  }
0x3c: {  	[sflag:s19] =	ssyncadd.s32 $0xFFFFD800  }
0x3d: {  	[spmem:s3] =	stream.indirect.scatter.add.f32 [tilespmem:s18], [sflag:$0x2], $0x80, s16, s17, $0xb8;
	[tilespmem:$0x1A900] =	vst v63  }
0x3e: {  	_ =	swait.ge [sflag:s15], $0x2800  }
0x3f: {  	s23 =	simm.s32 $0x14;
	s22 =	simm.s32 $0xA;
	[sflag:s15] =	ssyncset.done $0x0  }
.LBB2_4:
0x40: {  	s24 =	sadd.s32 s22, s13  }
0x41: {  	[sflag:s15] =	ssyncadd.s32 $0xFFFFD800;
	s25 =	smov.u32 s23;
	s26 =	sadd.s32 $0xA, s23  }
0x42: {  	[tilespmem:s4], [sflag:$0x2] =	stream.linear.gather [hbm4b:s24+s4], $0x50, $0x38;
	[tilespmem:$0x1A900] =	vst v63  }
0x43: {  	p0 =	sne.s32 s23, $0x4D8;
	_ =	swait.ge [sflag:s15], $0x50  }
0x44: {  	[sflag:s15] =	ssyncset.done $0x0  }
0x45: {  	s23 =	sadd.s32 s22, s12;
	s22 =	smov.u32 s25;
	[sflag:s15] =	ssyncadd.s32 $0xFFFFFFB0  }
0x46: {  	[tilespmem:s16], [sflag:$0x2] =	stream.linear.gather [hbm4b:s23+s4], $0x50, $0x38;
	[tilespmem:$0x1A900] =	vst v63  }
0x47: {  	_ =	swait.ge [sflag:s15], $0x50  }
0x48: {  	[sflag:s15] =	ssyncset.done $0x0  }
0x49: {  	[sflag:s15] =	ssyncadd.s32 $0xFFFFFFB0  }
0x4a: {  	[tilespmem:s18], [sflag:$0x1] =	stream.indirect.gather [hbm4b:s2+s17], $0x80, s4, s17, $0xb8;
	[tilespmem:$0x1A900] =	vst v63  }
0x4b: {  	_ =	swait.ge [sflag:s19], $0x2800  }
.Ltmp1:
0x4c: {  	[sflag:s19] =	ssyncset.done $0x0;
	(pc) =	sbr.rel @p0 .LBB2_4-.Ltmp1, $4  }
0x4d: {  	[sflag:s19] =	ssyncadd.s32 $0xFFFFD800  }
0x4e: {  	[spmem:s3] =	stream.indirect.scatter.add.f32 [tilespmem:s18], [sflag:$0x2], $0x80, s16, s17, $0xb8;
	[tilespmem:$0x1A900] =	vst v63  }
0x4f: {  	_ =	swait.ge [sflag:s15], $0x2800  }
0x50: {  	s23 =	smov.u32 s26;
	[sflag:s15] =	ssyncset.done $0x0  }
0x51: {  	s23 =	sadd.s32 s22, s13;
	[sflag:s15] =	ssyncadd.s32 $0xFFFFD800  }
0x52: {  	[tilespmem:s4], [sflag:$0x2] =	stream.linear.gather [hbm4b:s23+s4], $0x50, $0x38;
	[tilespmem:$0x1A900] =	vst v63  }
0x53: {  	_ =	swait.ge [sflag:s15], $0x50  }
0x54: {  	[sflag:s15] =	ssyncset.done $0x0  }
0x55: {  	s30 =	sadd.s32 s22, s12;
	[sflag:s15] =	ssyncadd.s32 $0xFFFFFFB0  }
0x56: {  	[tilespmem:s16], [sflag:$0x2] =	stream.linear.gather [hbm4b:s30+s4], $0x50, $0x38;
	[tilespmem:$0x1A900] =	vst v63  }
0x57: {  	_ =	swait.ge [sflag:s15], $0x50  }
0x58: {  	[sflag:s15] =	ssyncset.done $0x0  }
0x59: {  	[sflag:s15] =	ssyncadd.s32 $0xFFFFFFB0  }
0x5a: {  	[tilespmem:s18], [sflag:$0x1] =	stream.indirect.gather [hbm4b:s2+s17], $0x80, s4, s17, $0xb8;
	[tilespmem:$0x1A900] =	vst v63  }
0x5b: {  	_ =	swait.ge [sflag:s19], $0x2800  }
0x5c: {  	[sflag:s19] =	ssyncset.done $0x0  }
0x5d: {  	[sflag:s19] =	ssyncadd.s32 $0xFFFFD800  }
0x5e: {  	[spmem:s3] =	stream.indirect.scatter.add.f32 [tilespmem:s18], [sflag:$0x2], $0x80, s16, s17, $0xb8;
	[tilespmem:$0x1A900] =	vst v63  }
0x5f: {  	_ =	swait.ge [sflag:s15], $0x2800  }
0x60: {  	s21 =	sadd.s32 $0x1, s21;
	[sflag:s15] =	ssyncset.done $0x0  }
0x61: {  	p0 =	sne.s32 s21, s7;
	[sflag:s15] =	ssyncadd.s32 $0xFFFFD800  }
.Ltmp2:
0x62: {  	s31 =	sshrl.u32 s5, $0x3;
	[bflag:$0x0] =	sbarrier.arrive $0xFFFF;
	(pc) =	sbr.rel @p0 .LBB2_1-.Ltmp2, $4  }
0x63: {  	[hbm:s6], [sflag:s20] =	dma.local [spmem:s31], $0x2800  }
0x64: {  	_ =	swait.ge [sflag:s15], $0x2800  }
0x65: {  	[sflag:s15] =	ssyncset.done $0x0  }
0x66: {  	[sflag:s15] =	ssyncadd.s32 $0xFFFFD800  }
0x67: {  	_ =	sfence.sel $0x180000  }
0x68: {  	[bflag:$0x0] =	sbarrier.arrive $0xFFFF  }
0x69: {  	p0 =	sne.s32 s0, $0x0;
	_ =	strace $0x9000004D  }
0x6a: {  	s0 =	sadd.s32 @!p0 $0x100000, s1;
	[bflag:$0x2] =	sbarrier.arrive $0xFFFF  }
0x6b: {  	[sflag:s0] =	ssyncadd.tile.s32 @!p0 $0x1;
	_ =	shalt  }
.Lfunc_end2:
_tile_overlayer_lowered:
.L_overlay_start_2:
0x6c: {  	(tag) =	ssettag $0x2  }
0x6d: {  	s0 =	rddreg [dreg:$0x0];
	s2 =	stileid.u32  }
0x6e: {  	s1 =	rddreg [dreg:$0x1];
	p0 =	sne.s32 s2, $0x0  }
0x6f: {  	s3 =	rddreg [dreg:$0x2];
	[bflag:$0x3] =	sbarrier.arrive $0xFFFF;
	s2 =	simm.s32 @!p0 $0x1C02  }
0x70: {  	[timem:s3], [sflag:s2] =	dma.local @!p0 [hbm:s0], s1  }
0x71: {  	s0 =	simm.s32 @!p0 $0x2  }
0x72: {  	_ =	swait.ge @!p0 [sflag:s0], s1  }
0x73: {  	s1 =	ssub.s32 @!p0 $0x0, s1;
	[sflag:s0] =	ssyncset.done @!p0 $0x0  }
0x74: {  	[sflag:s0] =	ssyncadd.s32 @!p0 s1  }
0x75: {  	[bflag:$0x3] =	sbarrier.arrive $0xFFFF  }
0x76: {  	_ =	shalt  }

// kernel: kernel.8.cloned.1.call-start
scs
__scs_entry_jumppad:
0x0: {  	(pc) =	sbr.rel $0x88, $3  }
0x1: {  	(tag) =	ssettag $0x0;
	lr =	simm.s32 $0x1  }
0x2: {  	[smem:$0x3F9B] =	sst lr;
	_ =	strace $0xD0000000  }
0x3: {  	_ = 	snop  }
0x4: {  	_ = 	snop  }
0x5: {  	_ = 	snop  }
0x6: {  	_ = 	snop  }
0x7: {  	_ = 	snop  }
__scs_overlays_trampoline_lowered:
0x8: {  	[smem:$0x3FAA] =	sst s0  }
0x9: {  	[smem:$0x3FAB] =	sst s1  }
0xa: {  	[smem:$0x3FAC] =	sst s2  }
0xb: {  	[smem:$0x3FAD] =	sst s3  }
0xc: {  	[smem:$0x3FAE] =	sst s4  }
0xd: {  	[smem:$0x3FAF] =	sst s5  }
0xe: {  	[smem:$0x3FB0] =	sst s6  }
0xf: {  	[smem:$0x3FB1] =	sst s7  }
0x10: {  	[smem:$0x3FB2] =	sst s8  }
0x11: {  	[smem:$0x3FB3] =	sst s9;
	s0 =	simm.s32 @!p0 $0x0  }
0x12: {  	s1 =	sld [smem:$0x3F99];
	s0 =	simm.s32 @p0 $0x1  }
0x13: {  	[smem:$0x3FB4] =	sst s0;
	s0 =	simm.s32 @!p1 $0x0  }
0x14: {  	s2 =	sld [smem:$0x3F98];
	s0 =	simm.s32 @p1 $0x1  }
0x15: {  	[smem:$0x3FB5] =	sst s0;
	s0 =	simm.s32 @!p2 $0x0  }
0x16: {  	s3 =	sld [smem:$0x3FDB];
	s0 =	simm.s32 @p2 $0x1  }
0x17: {  	s4 =	simm.s32 $0x1BF5;
	[smem:$0x3FB7] =	sst s0  }
0x18: {  	s0 =	sld [smem:$0x3F9A];
	_ =	swait.ge [sflag:s4], $0x0  }
0x19: {  	s7 =	sld [smem:$0x3F9B]  }
0x1a: {  	s8 =	sadd.s32 $0xFFFFE003, lr  }
0x1b: {  	s9 =	sadd.s32 $0xFFFFFEF7, lr;
	s5 =	simm.s32 $0xFFFFFFFF;
	p2 =	slt.u32 s8, $0xFFFFF086  }
0x1c: {  	p1 =	slt.u32 s9, $0xF7A;
	s5 =	simm.s32 @!p2 $0x0  }
0x1d: {  	s5 =	simm.s32 @p1 $0x1;
	p0 =	seq.s32 s7, s2  }
0x1e: {  	s7 =	smul.u32 @!p0 $0xF7A, s2;
	p2 =	seq.s32 @!p0 s5, $0x0  }
0x1f: {  	s9 =	smul.u32 $0xF7A, s1;
	s8 =	simm.s32 @!p0 $0x1BF5;
	p2 =	por !p2, p0  }
0x20: {  	[sflag:s8] =	ssyncset.s32 @!p0 $0xFFFFF086;
	s6 =	sadd.s32 @!p0 s3, s7;
	s7 =	simm.s32 @!p0 $0x108  }
0x21: {  	s3 =	sadd.s32 s3, s9;
	s6 =	sadd.s32 @!p0 $0x88, s6;
	s7 =	simm.s32 @p2 $0x1082  }
0x22: {  	[simem:s7], [sflag:s8] =	dma.local @!p0 [hbm:s6], $0xF7A  }
0x23: {  	s9 =	sor.u32 $0xD0000000, s2;
	s6 =	simm.s32 $0x108;
	_ =	swait.ge @!p0 [sflag:s8], $0x0  }
0x24: {  	s3 =	sadd.s32 $0x88, s3;
	s6 =	simm.s32 @!p1 $0x1082;
	[sflag:s4] =	ssyncset.s32 $0xFFFFF086  }
0x25: {  	[simem:s6], [sflag:s4] =	dma.local [hbm:s3], $0xF7A  }
0x26: {  	[smem:$0x3F9B] =	sst s1;
	(tag) =	ssettag s2;
	_ =	strace s9  }
0x27: {  	s1 =	sld [smem:$0x3FAB]  }
0x28: {  	s2 =	sld [smem:$0x3FAC]  }
0x29: {  	s4 =	sld [smem:$0x3FAE]  }
0x2a: {  	p0 =	seq.s32 s5, $0x0;
	s5 =	sld [smem:$0x3FAF]  }
0x2b: {  	s6 =	sld [smem:$0x3FB0]  }
0x2c: {  	s7 =	sld [smem:$0x3FB1]  }
0x2d: {  	s3 =	simm.s32 $0x108;
	s8 =	sld [smem:$0x3FB2]  }
0x2e: {  	s3 =	simm.s32 @!p0 $0x1082;
	s9 =	sld [smem:$0x3FB3]  }
0x2f: {  	lr =	sadd.s32 s0, s3;
	s0 =	sld [smem:$0x3FAA]  }
0x30: {  	s3 =	sld [smem:$0x3FAD]  }
0x31: {  	[smem:$0x3FB6] =	sst s10  }
0x32: {  	s10 =	sld [smem:$0x3FB4];
	_ =	sdelay $0x3  }
0x33: {  	p0 =	seq.s32 s10, $0x1;
	s10 =	sld [smem:$0x3FB6];
	_ =	sdelay $0x3  }
0x34: {  	[smem:$0x3FB6] =	sst s10  }
0x35: {  	s10 =	sld [smem:$0x3FB5];
	_ =	sdelay $0x3  }
0x36: {  	p1 =	seq.s32 s10, $0x1;
	s10 =	sld [smem:$0x3FB6];
	_ =	sdelay $0x3  }
0x37: {  	[smem:$0x3FB6] =	sst s10  }
0x38: {  	s10 =	sld [smem:$0x3FB7]  }
0x39: {  	_ = 	snop;
	(pc) =	sbr.ind lr, $3  }
0x3a: {  	_ = 	snop  }
0x3b: {  	_ = 	snop  }
0x3c: {  	p2 =	seq.s32 s10, $0x1;
	s10 =	sld [smem:$0x3FB6]  }
0x3d: {  	_ =	shalt  }
0x3e: {  	_ =	shalt  }
0x3f: {  	_ =	shalt  }
0x40: {  	_ =	shalt  }
0x41: {  	_ =	shalt  }
0x42: {  	_ =	shalt  }
0x43: {  	_ =	shalt  }
0x44: {  	_ =	shalt  }
0x45: {  	_ =	shalt  }
0x46: {  	_ =	shalt  }
0x47: {  	_ =	shalt  }
0x48: {  	_ =	shalt  }
0x49: {  	_ =	shalt  }
0x4a: {  	_ =	shalt  }
0x4b: {  	_ =	shalt  }
0x4c: {  	_ =	shalt  }
0x4d: {  	_ =	shalt  }
0x4e: {  	_ =	shalt  }
0x4f: {  	_ =	shalt  }
0x50: {  	_ =	shalt  }
0x51: {  	_ =	shalt  }
0x52: {  	_ =	shalt  }
0x53: {  	_ =	shalt  }
0x54: {  	_ =	shalt  }
0x55: {  	_ =	shalt  }
0x56: {  	_ =	shalt  }
0x57: {  	_ =	shalt  }
0x58: {  	_ =	shalt  }
0x59: {  	_ =	shalt  }
0x5a: {  	_ =	shalt  }
0x5b: {  	_ =	shalt  }
0x5c: {  	_ =	shalt  }
0x5d: {  	_ =	shalt  }
0x5e: {  	_ =	shalt  }
0x5f: {  	_ =	shalt  }
0x60: {  	_ =	shalt  }
0x61: {  	_ =	shalt  }
0x62: {  	_ =	shalt  }
0x63: {  	_ =	shalt  }
0x64: {  	_ =	shalt  }
0x65: {  	_ =	shalt  }
0x66: {  	_ =	shalt  }
0x67: {  	_ =	shalt  }
0x68: {  	_ =	shalt  }
0x69: {  	_ =	shalt  }
0x6a: {  	_ =	shalt  }
0x6b: {  	_ =	shalt  }
0x6c: {  	_ =	shalt  }
0x6d: {  	_ =	shalt  }
0x6e: {  	_ =	shalt  }
0x6f: {  	_ =	shalt  }
0x70: {  	_ =	shalt  }
0x71: {  	_ =	shalt  }
0x72: {  	_ =	shalt  }
0x73: {  	_ =	shalt  }
0x74: {  	_ =	shalt  }
0x75: {  	_ =	shalt  }
0x76: {  	_ =	shalt  }
0x77: {  	_ =	shalt  }
0x78: {  	_ =	shalt  }
0x79: {  	_ =	shalt  }
0x7a: {  	_ =	shalt  }
0x7b: {  	_ =	shalt  }
0x7c: {  	_ =	shalt  }
0x7d: {  	_ =	shalt  }
0x7e: {  	_ =	shalt  }
0x7f: {  	_ =	shalt  }
0x80: {  	_ =	shalt  }
0x81: {  	_ =	shalt  }
0x82: {  	_ =	shalt  }
0x83: {  	_ =	shalt  }
0x84: {  	_ =	shalt  }
0x85: {  	_ =	shalt  }
0x86: {  	_ =	shalt  }
0x87: {  	_ =	shalt  }
.Lfunc_end0:
.L_simem_size_0:
called_computation_lowered:
.L_overlay_start_0:
0x88: {  	s2 =	sld [smem:$0x3FD9]  }
0x89: {  	s3 =	sld [smem:$0x3FFE];
	_ =	sdelay $0x1  }
0x8a: {  	s1 =	srdreg.scid  }
0x8b: {  	s0 =	sand.u32 $0x1, s1  }
0x8c: {  	s16 =	sshll.u32 s0, $0xA;
	s2 =	sadd.s32 s3, s2  }
0x8d: {  	s2 =	sadd.s32 s2, s16  }
0x8e: {  	[smem:$0x3FC2] =	sst s2  }
0x8f: {  	_ = 	snop  }
0x90: {  	(tm) =	ssettm $0x1  }
0x91: {  	s17 =	sld [smem:$0x3FFB];
	_ =	sdelay $0x3  }
0x92: {  	_ =	strace s17  }
0x93: {  	s2 =	sld [smem:$0x3FFC];
	_ =	sdelay $0x3  }
0x94: {  	_ =	strace s2  }
0x95: {  	s2 =	sld [smem:$0x3FFD];
	_ =	sdelay $0x3  }
0x96: {  	_ =	strace s2  }
0x97: {  	_ =	strace $0x8FFFFFFF  }
0x98: {  	s18 =	sld [smem:$0x3FDB];
	_ =	sdelay $0x1  }
0x99: {  	s19 =	simm.s32 $_scs_section_size  }
0x9a: {  	s4 =	simm.s32 $_size__tile_overlayer_lowered;
	s5 =	simm.s32 $_tile_overlayer_lowered  }
0x9b: {  	s22 =	simm.s32 $0x1BFF;
	s21 =	sshll.u32 s5, $0x1;
	s2 =	sadd.s32 s19, s18  }
0x9c: {  	s6 =	simm.s32 $0x0;
	s20 =	sshll.u32 s4, $0x1;
	s4 =	sadd.s32 s21, s2  }
0x9d: {  	[timem:s6], [sflag:s22] =	dma.local [hbm:s4], s20  }
0x9e: {  	_ =	swait.ge [sflag:s22], s20  }
0x9f: {  	s3 =	ssub.s32 $0x0, s20;
	[sflag:s22] =	ssyncset.done $0x0  }
0xa0: {  	[sflag:s22] =	ssyncadd.s32 s3;
	_ =	sdelay $0x1  }
0xa1: {  	s23 =	simm.s32 $0x1B8B  }
0xa2: {  	_ =	swait.ge [sflag:s23], $0x1  }
0xa3: {  	[sflag:s23] =	ssyncset.done $0x0  }
0xa4: {  	s25 =	simm.s32 $0x1B8E;
	s24 =	sld [smem:$0x3FFE];
	[sflag:s23] =	ssyncadd.s32 $0xFFFFFFFF  }
0xa5: {  	s26 =	simm.s32 $execute0_lowered;
	[smem:$0x3FD2] =	sst s25  }
0xa6: {  	s4 =	sshll.u32 s26, $0x1;
	_ =	strace $0x80000046;
	[dreg:$0x1] =	wrdreg $0xFFFFFFFF  }
0xa7: {  	s28 =	simm.s32 $_size_execute0_lowered;
	s2 =	sadd.s32 s2, s4;
	[dreg:$0x0] =	wrdreg $0x0  }
0xa8: {  	s4 =	sshll.u32 s28, $0x1;
	[dreg:$0x2] =	wrdreg s2  }
0xa9: {  	[dreg:$0x3] =	wrdreg s4  }
0xaa: {  	[dreg:$0x4] =	wrdreg $0xC0  }
0xab: {  	_ =	task [dreg:s6], $0x5FFFF  }
0xac: {  	[dreg:$0x1] =	wrdreg $0xFFFFFFFF  }
0xad: {  	[dreg:$0x0] =	wrdreg $0x60  }
0xae: {  	[dreg:$0x2] =	wrdreg s24  }
0xaf: {  	[dreg:$0x3] =	wrdreg $0x68800  }
0xb0: {  	[dreg:$0x4] =	wrdreg $0x9  }
0xb1: {  	_ =	task.clear_ibuf [dreg:s6], $0x5FFFF;
	_ =	strace $0x90000046  }
0xb2: {  	s29 =	simm.s32 $0x9;
	_ =	strace $0x80000048  }
0xb3: {  	_ =	swait.ge [sflag:s29], $0x1  }
0xb4: {  	[sflag:s29] =	ssyncadd.s32 $0xFFFFFFFF  }
0xb5: {  	_ =	strace $0x90000048  }
0xb6: {  	_ =	sfence  }
0xb7: {  	s30 =	sld [smem:$0x0];
	_ =	sdelay $0x2  }
0xb8: {  	s31 =	sshll.u32 s1, $0xD;
	s1 =	sshrl.u32 s1, $0x2  }
0xb9: {  	s3 =	sand.u32 $0x4000, s31;
	s1 =	sadd.s32 s1, s30  }
0xba: {  	s0 =	sor.u32 s3, s0;
	s1 =	sshll.u32 s1, $0x11  }
0xbb: {  	s0 =	sor.u32 s1, s0  }
0xbc: {  	s0 =	sadd.s32 $0x8F2B, s0  }
0xbd: {  	[sflag:s0] =	ssyncadd.remote.s32 $0x1  }
0xbe: {  	_ =	sfence.sel $0xFFFF  }
0xbf: {  	[dreg:$0x0] =	wrdreg $0xFFFFFFFF;
	(pc) =	sbr.abs _section_cstart, $3  }
0xc0: {  	[dreg:$0x1] =	wrdreg $0xFFFFFFFF  }
0xc1: {  	_ =	task.clear_ibuf [dreg:s6], $0x2FFFF;
	_ =	strace $0x9FFFFFFF  }
0xc2: {  	(tm) =	ssettm $0x7FFFFFFF  }
0xc3: {  	_ =	shalt  }
tec
execute0_lowered:
.L_overlay_start_1:
0x0: {  	(tag) =	ssettag $0x1  }
0x1: {  	s4 =	rddreg [dreg:$0x0]  }
0x2: {  	s0 =	srdreg.scid;
	s2 =	rddreg [dreg:$0x1]  }
0x3: {  	s1 =	rddreg [dreg:$0x2];
	s3 =	simm.s32 $0x0;
	s5 =	sand.u32 $0x1, s0  }
0x4: {  	s12 =	simm.s32 $0x2880;
	s0 =	stileid.u32;
	s6 =	smul.u32 $0x27100, s5  }
0x5: {  	s13 =	simm.s32 $0x1;
	s14 =	simm.s32 $0x50;
	s7 =	smul.u32 $0x2710, s0  }
0x6: {  	s15 =	simm.s32 $0x80;
	[smem:$0x7FF] =	sst s3;
	s8 =	smul.u32 $0x140000, s5  }
0x7: {  	s17 =	simm.s32 $0x0;
	s26 =	smul.u32 $0x14000, s0;
	_ =	strace $0x80000047  }
0x8: {  	s5 =	ssub.s32 $0x2, s5;
	s28 =	smul.u32 $0x50000, s0;
	s16 =	sshll.u32 s0, $0x6  }
0x9: {  	s30 =	sshrl.u32 s5, $0x1;
	s6 =	sadd.s32 s7, s6;
	s7 =	sadd.s32 s26, s8  }
0xa: {  	s16 =	sor.u32 $0x1C01, s16;
	s6 =	sshrl.u32 s6, $0x3;
	s29 =	sshrl.u32 s7, $0x3  }
0xb: {  	s31 =	sshrl.u32 s28, $0x2;
	s11 =	sadd.s32 s6, s4;
	s6 =	sadd.s32 s29, s4  }
0xc: {  	s7 =	ssub.s32 s5, s30;
	s4 =	sadd.s32 s31, s2;
	s5 =	sadd.s32 $0x17000, s6  }
0xd: {  	s6 =	smax.u32 s7, $0x1;
	s7 =	sadd.s32 $0x4000, s4;
	s8 =	sadd.s32 $0x8000, s4  }
0xe: {  	v0 =	vimm.f32 $1.000000000e+00;
	v1 =	vimm.f32 $0.0e+00;
	s9 =	sadd.s32 $0xC000, s4;
	s10 =	sadd.s32 $0x10000, s4;
	s11 =	sadd.s32 $0x3400, s11  }
.LBB2_1:
0xf: {  	s18 =	simm.s32 $0x0;
	s19 =	simm.s32 $0x0  }
.LBB2_2:
0x10: {  	p0 =	sne.s32 s19, $0x9FC0  }
.Ltmp0:
0x11: {  	_ = 	snop;
	(pc) =	sbr.rel @p0 .LBB2_2-.Ltmp0, $4  }
0x12: {  	s20 =	sand.u32 $0xFE00, s19  }
0x13: {  	s21 =	sand.u32 $0x70, s18;
	s20 =	sshrl.u32 s20, $0x2  }
0x14: {  	s20 =	sor.u32 s21, s20  }
0x15: {  	s18 =	sadd.s32 $0x10, s18;
	s19 =	sadd.s32 $0x40, s19;
	[tilespmem:s20+$0x80] =	vst v0  }
0x16: {  	s18 =	simm.s32 $0x0  }
0x17: {  	s19 =	sand.u32 $0xFE00, s18  }
0x18: {  	s20 =	sand.u32 $0x70, s18;
	s21 =	sshrl.u32 s19, $0x2  }
0x19: {  	s19 =	simm.s32 $0x40;
	s20 =	sor.u32 s20, s21  }
.LBB2_4:
0x1a: {  	p0 =	sne.s32 s19, $0xFFC0  }
0x1b: {  	[tilespmem:s20+$0x2880] =	vst v1;
	s18 =	sadd.s32 $0x10, s18;
	s20 =	smov.u32 s19;
	s19 =	sadd.s32 $0x40, s19  }
.Ltmp1:
0x1c: {  	(pc) =	sbr.rel @p0 .LBB2_4-.Ltmp1, $4  }
0x1d: {  	_ = 	snop  }
0x1e: {  	s20 =	sand.u32 $0xFE00, s20  }
0x1f: {  	s21 =	sand.u32 $0x70, s18;
	s20 =	sshrl.u32 s20, $0x2  }
0x20: {  	s20 =	sor.u32 s21, s20  }
0x21: {  	[tilespmem:s20+$0x2880] =	vst v1  }
0x22: {  	[spmem:s4] =	stream.linear.scatter [tilespmem:s12], [sflag:$0x1], $0x4000, $0x38;
	[tilespmem:$0x1A880] =	vst v63  }
0x23: {  	_ =	swait.ge [sflag:s13], $0x4000  }
0x24: {  	[sflag:s13] =	ssyncset.done $0x0  }
0x25: {  	[sflag:s13] =	ssyncadd.s32 $0xFFFFC000  }
0x26: {  	[spmem:s7] =	stream.linear.scatter [tilespmem:s12], [sflag:$0x1], $0x4000, $0x38;
	[tilespmem:$0x1A880] =	vst v63  }
0x27: {  	_ =	swait.ge [sflag:s13], $0x4000  }
0x28: {  	[sflag:s13] =	ssyncset.done $0x0  }
0x29: {  	[sflag:s13] =	ssyncadd.s32 $0xFFFFC000  }
0x2a: {  	[spmem:s8] =	stream.linear.scatter [tilespmem:s12], [sflag:$0x1], $0x4000, $0x38;
	[tilespmem:$0x1A880] =	vst v63  }
0x2b: {  	_ =	swait.ge [sflag:s13], $0x4000  }
0x2c: {  	[sflag:s13] =	ssyncset.done $0x0  }
0x2d: {  	[sflag:s13] =	ssyncadd.s32 $0xFFFFC000  }
0x2e: {  	[spmem:s9] =	stream.linear.scatter [tilespmem:s12], [sflag:$0x1], $0x4000, $0x38;
	[tilespmem:$0x1A880] =	vst v63  }
0x2f: {  	_ =	swait.ge [sflag:s13], $0x4000  }
0x30: {  	[sflag:s13] =	ssyncset.done $0x0  }
0x31: {  	[sflag:s13] =	ssyncadd.s32 $0xFFFFC000  }
0x32: {  	[spmem:s10] =	stream.linear.scatter [tilespmem:s12], [sflag:$0x1], $0x4000, $0x38;
	[tilespmem:$0x1A880] =	vst v63  }
0x33: {  	_ =	swait.ge [sflag:s13], $0x4000  }
0x34: {  	[sflag:s13] =	ssyncset.done $0x0  }
0x35: {  	[sflag:s13] =	ssyncadd.s32 $0xFFFFC000  }
0x36: {  	s18 =	sadd.s32 $0x0, s11;
	[bflag:$0x0] =	sbarrier.arrive $0xFFFF  }
0x37: {  	[tilespmem:s3], [sflag:$0x1] =	stream.linear.gather [hbm4b:s18+s3], $0x50, $0x38;
	[tilespmem:$0x1A880] =	vst v63  }
0x38: {  	_ =	swait.ge [sflag:s13], $0x50  }
0x39: {  	[sflag:s13] =	ssyncset.done $0x0  }
0x3a: {  	[sflag:s13] =	ssyncadd.s32 $0xFFFFFFB0  }
0x3b: {  	[spmem:s2] =	stream.indirect.scatter.add.f32 [tilespmem:s15], [sflag:$0x1], $0x80, s3, s14, $0xb8;
	[tilespmem:$0x1A880] =	vst v63  }
0x3c: {  	_ =	swait.ge [sflag:s13], $0x2800  }
0x3d: {  	s19 =	simm.s32 $0x14;
	s18 =	simm.s32 $0xA;
	[sflag:s13] =	ssyncset.done $0x0  }
.LBB2_6:
0x3e: {  	s20 =	sadd.s32 s18, s11  }
0x3f: {  	[sflag:s13] =	ssyncadd.s32 $0xFFFFD800;
	s18 =	smov.u32 s19;
	s21 =	sadd.s32 $0xA, s19  }
0x40: {  	[tilespmem:s3], [sflag:$0x1] =	stream.linear.gather [hbm4b:s20+s3], $0x50, $0x38;
	[tilespmem:$0x1A880] =	vst v63  }
0x41: {  	p0 =	sne.s32 s19, $0x4D8;
	_ =	swait.ge [sflag:s13], $0x50  }
.Ltmp2:
0x42: {  	[sflag:s13] =	ssyncset.done $0x0;
	(pc) =	sbr.rel @p0 .LBB2_6-.Ltmp2, $4  }
0x43: {  	[sflag:s13] =	ssyncadd.s32 $0xFFFFFFB0  }
0x44: {  	[spmem:s2] =	stream.indirect.scatter.add.f32 [tilespmem:s15], [sflag:$0x1], $0x80, s3, s14, $0xb8;
	[tilespmem:$0x1A880] =	vst v63  }
0x45: {  	_ =	swait.ge [sflag:s13], $0x2800  }
0x46: {  	s19 =	smov.u32 s21;
	[sflag:s13] =	ssyncset.done $0x0  }
0x47: {  	s18 =	sadd.s32 s18, s11;
	[sflag:s13] =	ssyncadd.s32 $0xFFFFD800  }
0x48: {  	[tilespmem:s3], [sflag:$0x1] =	stream.linear.gather [hbm4b:s18+s3], $0x50, $0x38;
	[tilespmem:$0x1A880] =	vst v63  }
0x49: {  	_ =	swait.ge [sflag:s13], $0x50  }
0x4a: {  	[sflag:s13] =	ssyncset.done $0x0  }
0x4b: {  	[sflag:s13] =	ssyncadd.s32 $0xFFFFFFB0  }
0x4c: {  	[spmem:s2] =	stream.indirect.scatter.add.f32 [tilespmem:s15], [sflag:$0x1], $0x80, s3, s14, $0xb8;
	[tilespmem:$0x1A880] =	vst v63  }
0x4d: {  	_ =	swait.ge [sflag:s13], $0x2800  }
0x4e: {  	s17 =	sadd.s32 $0x1, s17;
	[sflag:s13] =	ssyncset.done $0x0  }
0x4f: {  	p0 =	sne.s32 s17, s6;
	[sflag:s13] =	ssyncadd.s32 $0xFFFFD800  }
.Ltmp3:
0x50: {  	s31 =	sshrl.u32 s4, $0x3;
	[bflag:$0x0] =	sbarrier.arrive $0xFFFF;
	(pc) =	sbr.rel @p0 .LBB2_1-.Ltmp3, $4  }
0x51: {  	[hbm:s5], [sflag:s16] =	dma.local [spmem:s31], $0x2800  }
0x52: {  	_ =	swait.ge [sflag:s13], $0x2800  }
0x53: {  	[sflag:s13] =	ssyncset.done $0x0  }
0x54: {  	[sflag:s13] =	ssyncadd.s32 $0xFFFFD800  }
0x55: {  	_ =	sfence.sel $0x180000  }
0x56: {  	[bflag:$0x0] =	sbarrier.arrive $0xFFFF  }
0x57: {  	p0 =	sne.s32 s0, $0x0;
	_ =	strace $0x90000047  }
0x58: {  	s0 =	sadd.s32 @!p0 $0x100000, s1;
	[bflag:$0x2] =	sbarrier.arrive $0xFFFF  }
0x59: {  	[sflag:s0] =	ssyncadd.tile.s32 @!p0 $0x1;
	_ =	shalt  }
.Lfunc_end2:
_tile_overlayer_lowered:
.L_overlay_start_2:
0x5a: {  	(tag) =	ssettag $0x2  }
0x5b: {  	s0 =	rddreg [dreg:$0x0];
	s2 =	stileid.u32  }
0x5c: {  	s1 =	rddreg [dreg:$0x1];
	p0 =	sne.s32 s2, $0x0  }
0x5d: {  	s3 =	rddreg [dreg:$0x2];
	[bflag:$0x3] =	sbarrier.arrive $0xFFFF;
	s2 =	simm.s32 @!p0 $0x1C01  }
0x5e: {  	[timem:s3], [sflag:s2] =	dma.local @!p0 [hbm:s0], s1  }
0x5f: {  	s0 =	simm.s32 @!p0 $0x1  }
0x60: {  	_ =	swait.ge @!p0 [sflag:s0], s1  }
0x61: {  	s1 =	ssub.s32 @!p0 $0x0, s1;
	[sflag:s0] =	ssyncset.done @!p0 $0x0  }
0x62: {  	[sflag:s0] =	ssyncadd.s32 @!p0 s1  }
0x63: {  	[bflag:$0x3] =	sbarrier.arrive $0xFFFF  }
0x64: {  	_ =	shalt  }

</sc_bundles>
